<compile_context>
chip_gen: v7x
topology: tpu7x:2x2x1
jax: 0.10.2.dev20260603
libtpu: 0.0.44.dev20260713+nightly
codegen_flags: <defaults>
</compile_context>

<pallas_src>
import functools

import jax
import jax.numpy as jnp
from jax import lax
from jax.experimental import pallas as pl
from jax.experimental.pallas import tpu as pltpu
from jax.experimental.pallas import tpu_sc as plsc

_B = 8
_N = 4096
_K = 4096
_KB = 4096

_NC = 2
_NS = 16
_NW = _NC * _NS
_CHUNK = (_B * _K) // _NW


_NCH = 8


def _tc_body(basis2_ref, bsq_ref, pct_ref, pcsq_ref, iota_ref, idx_ref):
    ba2 = basis2_ref[...]
    bsq = bsq_ref[...]
    nc = _N // _NCH
    run_m = jnp.full((_KB, 128), jnp.inf, jnp.float32)
    run_i = jnp.zeros((_KB, 128), jnp.float32)
    for c in range(_NCH):
        sl = pl.ds(c * nc, nc)
        cross2 = jnp.dot(ba2, pct_ref[0, :, sl],
                         preferred_element_type=jnp.float32)
        sq = (bsq + pcsq_ref[0, :, sl]) - cross2
        for l in range(nc // 128):
            v = sq[:, l * 128:(l + 1) * 128]
            io = iota_ref[0, :, pl.ds(c * nc + l * 128, 128)]
            mask = v < run_m
            run_i = jnp.where(mask, io, run_i)
            run_m = jnp.minimum(run_m, v)
    m = jnp.min(run_m, axis=1, keepdims=True)
    idxf = jnp.min(jnp.where(run_m == m, run_i, float(_N)),
                   axis=1, keepdims=True)
    idx_ref[0] = idxf.astype(jnp.int32).reshape(1, _KB)


def _nn_indices(basis2_8, b_sq, pc8_t, pc_sq3, iota_row):
    kg = _K // _KB
    idx = pl.pallas_call(
        _tc_body,
        grid=(_B, kg),
        in_specs=[
            pl.BlockSpec((_KB, 8), lambda b, g: (g, 0)),
            pl.BlockSpec((_KB, 1), lambda b, g: (g, 0)),
            pl.BlockSpec((1, 8, _N), lambda b, g: (b, 0, 0)),
            pl.BlockSpec((1, 1, _N), lambda b, g: (b, 0, 0)),
            pl.BlockSpec((1, 1, _N), lambda b, g: (0, 0, 0)),
        ],
        out_specs=pl.BlockSpec((1, 1, _KB), lambda b, g: (b * kg + g, 0, 0)),
        out_shape=jax.ShapeDtypeStruct((_B * kg, 1, _KB), jnp.int32),
    )(basis2_8, b_sq, pc8_t, pc_sq3, iota_row)
    return idx.reshape(_B * _K)


def _rsqrt_newton(ss):
    bits = plsc.bitcast(ss, jnp.int32)
    y = plsc.bitcast(0x5F3759DF - lax.shift_right_arithmetic(bits, 1),
                     jnp.float32)
    for _ in range(3):
        y = y * (1.5 - 0.5 * ss * y * y)
    return y


def _sc_gather(pcx, pcy, pcz, bx, by, bz, idx):
    mesh = plsc.VectorSubcoreMesh(core_axis_name="c", subcore_axis_name="s")
    fdt = jax.ShapeDtypeStruct((_B * _K,), jnp.float32)

    @functools.partial(
        pl.kernel,
        out_type=(fdt, fdt, fdt, fdt),
        mesh=mesh,
        compiler_params=pltpu.CompilerParams(needs_layout_passes=False),
        scratch_types=[
            pltpu.VMEM((_CHUNK,), jnp.int32),
            pltpu.VMEM((_N,), jnp.float32),
            pltpu.VMEM((_N,), jnp.float32),
            pltpu.VMEM((_N,), jnp.float32),
            pltpu.VMEM((_CHUNK,), jnp.float32),
            pltpu.VMEM((_CHUNK,), jnp.float32),
            pltpu.VMEM((_CHUNK,), jnp.float32),
            pltpu.VMEM((_CHUNK,), jnp.float32),
            pltpu.VMEM((_CHUNK,), jnp.float32),
            pltpu.VMEM((_CHUNK,), jnp.float32),
            pltpu.VMEM((_CHUNK,), jnp.float32),
        ],
    )
    def run(pcx_h, pcy_h, pcz_h, bx_h, by_h, bz_h, idx_h,
            od_h, ox_h, oy_h, oz_h,
            idx_v, px_v, py_v, pz_v, bx_v, by_v, bz_v,
            od_v, ox_v, oy_v, oz_v):
        wid = lax.axis_index("s") * _NC + lax.axis_index("c")
        base = wid * _CHUNK
        b = base // _K
        koff = base - b * _K
        pltpu.sync_copy(pcx_h.at[pl.ds(b * _N, _N)], px_v)
        pltpu.sync_copy(pcy_h.at[pl.ds(b * _N, _N)], py_v)
        pltpu.sync_copy(pcz_h.at[pl.ds(b * _N, _N)], pz_v)
        pltpu.sync_copy(bx_h.at[pl.ds(koff, _CHUNK)], bx_v)
        pltpu.sync_copy(by_h.at[pl.ds(koff, _CHUNK)], by_v)
        pltpu.sync_copy(bz_h.at[pl.ds(koff, _CHUNK)], bz_v)
        pltpu.sync_copy(idx_h.at[pl.ds(base, _CHUNK)], idx_v)

        def body(i, carry):
            off = i * 16
            iv = idx_v[pl.ds(off, 16)]
            nx = plsc.load_gather(px_v, [iv])
            ny = plsc.load_gather(py_v, [iv])
            nz = plsc.load_gather(pz_v, [iv])
            dx = nx - bx_v[pl.ds(off, 16)]
            dy = ny - by_v[pl.ds(off, 16)]
            dz = nz - bz_v[pl.ds(off, 16)]
            ss = dx * dx + dy * dy + dz * dz + 1e-12
            d = ss * _rsqrt_newton(ss)
            od_v[pl.ds(off, 16)] = d
            ox_v[pl.ds(off, 16)] = dx
            oy_v[pl.ds(off, 16)] = dy
            oz_v[pl.ds(off, 16)] = dz
            return carry

        lax.fori_loop(0, _CHUNK // 16, body, 0)

        pltpu.sync_copy(od_v, od_h.at[pl.ds(base, _CHUNK)])
        pltpu.sync_copy(ox_v, ox_h.at[pl.ds(base, _CHUNK)])
        pltpu.sync_copy(oy_v, oy_h.at[pl.ds(base, _CHUNK)])
        pltpu.sync_copy(oz_v, oz_h.at[pl.ds(base, _CHUNK)])

    return run(pcx, pcy, pcz, bx, by, bz, idx)


def kernel(point_cloud, basis):
    B, N, _ = point_cloud.shape
    K = basis.shape[0]
    pc_sq = jnp.sum(point_cloud * point_cloud, axis=-1)
    b_sq = jnp.sum(basis * basis, axis=-1, keepdims=True)

    pc8_t = jnp.concatenate(
        [jnp.transpose(point_cloud, (0, 2, 1)),
         jnp.zeros((B, 5, N), jnp.float32)], axis=1)
    basis2_8 = jnp.concatenate(
        [2.0 * basis, jnp.zeros((K, 5), jnp.float32)], axis=-1)
    pc_sq3 = pc_sq[:, None, :]
    iota_row = lax.iota(jnp.float32, N).reshape(1, 1, N)

    idx = _nn_indices(basis2_8, b_sq, pc8_t, pc_sq3, iota_row)

    pcx = point_cloud[:, :, 0].reshape(B * N)
    pcy = point_cloud[:, :, 1].reshape(B * N)
    pcz = point_cloud[:, :, 2].reshape(B * N)
    d, dx, dy, dz = _sc_gather(pcx, pcy, pcz,
                               basis[:, 0], basis[:, 1], basis[:, 2], idx)
    out = jnp.stack([d, dx, dy, dz], axis=-1)
    return out.reshape(B, K, 4)

# --- scband reference (transcript-rebuilt; emitter-appended) ---
"""Pipeline reference for scband-bpscondition-tokenizer-54099408061131 (READ-ONLY COPY).

The authoritative reference and input builder live on the scoring server;
editing this copy changes nothing except your own understanding.
"""

import jax, jax.numpy as jnp
import numpy as np

B = 8
N = 4096
K = 4096  # n_bps_points
RADIUS = 1.0
N_DIMS = 3


def _make_basis(key):
    # bps_torch 'random_uniform': points sampled uniformly inside a ball of given radius
    k1, k2 = jax.random.split(key)
    dirs = jax.random.normal(k1, (K, N_DIMS), dtype=jnp.float32)
    dirs = dirs / (jnp.linalg.norm(dirs, axis=-1, keepdims=True) + 1e-12)
    u = jax.random.uniform(k2, (K, 1), dtype=jnp.float32)
    r = RADIUS * jnp.power(u, 1.0 / N_DIMS)
    return dirs * r


def setup_inputs(seed: int = 0) -> dict:
    key = jax.random.key(seed)
    k_pc, k_basis = jax.random.split(key)
    point_cloud = jax.random.normal(k_pc, (B, N, N_DIMS), dtype=jnp.float32)
    basis = _make_basis(k_basis)
    return {"point_cloud": point_cloud, "basis": basis}


def reference(point_cloud, basis):
    # BPS encode with feature_type=['dists','deltas']:
    # for each basis point, find the nearest point in the cloud (1-NN),
    # dists = distance to nearest point, deltas = nearest_point - basis_point.
    pc_sq = jnp.sum(point_cloud * point_cloud, axis=-1)          # [B, N]
    b_sq = jnp.sum(basis * basis, axis=-1)                        # [K]
    cross = jnp.einsum('bnd,kd->bkn', point_cloud, basis)         # [B, K, N]
    sq_d = b_sq[None, :, None] + pc_sq[:, None, :] - 2.0 * cross  # [B, K, N]
    idx = jnp.argmin(sq_d, axis=-1)                               # [B, K]
    nearest = jnp.take_along_axis(point_cloud, idx[:, :, None], axis=1)  # [B, K, 3]
    deltas = nearest - basis[None, :, :]                          # [B, K, 3]
    dists = jnp.sqrt(jnp.sum(deltas * deltas, axis=-1) + 1e-12)   # [B, K]
    # token order: dists first, then deltas -> [B, K, 4]
    return jnp.concatenate([dists[..., None], deltas], axis=-1)

if __name__ == "__main__":
    import jax
    _d = setup_inputs()
    print(jax.jit(kernel)(*tuple(_d.values())))

</pallas_src>

<mosaic_0001>
#map = affine_map<(d0, d1) -> (0)>
module attributes {stable_mosaic.version = 14 : i64} {
  func.func @run(%arg0: i32, %arg1: i32, %arg2: memref<32768xf32, #tpu.memory_space<hbm>>, %arg3: memref<32768xf32, #tpu.memory_space<hbm>>, %arg4: memref<32768xf32, #tpu.memory_space<hbm>>, %arg5: memref<4096xf32, #tpu.memory_space<hbm>>, %arg6: memref<4096xf32, #tpu.memory_space<hbm>>, %arg7: memref<4096xf32, #tpu.memory_space<hbm>>, %arg8: memref<32768xi32, #tpu.memory_space<hbm>>, %arg9: memref<32768xf32, #tpu.memory_space<hbm>>, %arg10: memref<32768xf32, #tpu.memory_space<hbm>>, %arg11: memref<32768xf32, #tpu.memory_space<hbm>>, %arg12: memref<32768xf32, #tpu.memory_space<hbm>>, %arg13: memref<1024xi32, #tpu.memory_space<vmem>>, %arg14: memref<4096xf32, #tpu.memory_space<vmem>>, %arg15: memref<4096xf32, #tpu.memory_space<vmem>>, %arg16: memref<4096xf32, #tpu.memory_space<vmem>>, %arg17: memref<1024xf32, #tpu.memory_space<vmem>>, %arg18: memref<1024xf32, #tpu.memory_space<vmem>>, %arg19: memref<1024xf32, #tpu.memory_space<vmem>>, %arg20: memref<1024xf32, #tpu.memory_space<vmem>>, %arg21: memref<1024xf32, #tpu.memory_space<vmem>>, %arg22: memref<1024xf32, #tpu.memory_space<vmem>>, %arg23: memref<1024xf32, #tpu.memory_space<vmem>>) attributes {dimension_semantics = [#tpu.dimension_semantics<core_parallel>, #tpu.dimension_semantics<subcore_parallel>], iteration_bounds = array<i64: 2, 16>, scalar_prefetch = 0 : i64, scratch_operands = 11 : i64, tpu.core_type = #tpu.core_type<sc_vector_subcore>, window_params = [{transform_indices = #map}, {transform_indices = #map}, {transform_indices = #map}, {transform_indices = #map}, {transform_indices = #map}, {transform_indices = #map}, {transform_indices = #map}, {transform_indices = #map}, {transform_indices = #map}, {transform_indices = #map}, {transform_indices = #map}]} {
    %mul3A = arith.constant 2 : i32
    %mul3A_0 = arith.muli %arg1, %mul3A : i32
    %add3A = arith.addi %mul3A_0, %arg0 : i32
    %mul3A_1 = arith.constant 1024 : i32
    %mul3A_2 = arith.muli %add3A, %mul3A_1 : i32
    %jit3A = arith.constant 4096 : i32
    %div3A = arith.divsi %mul3A_2, %jit3A : i32
    %sign3A = arith.constant 0 : i32
    %sign3A_3 = arith.cmpi sgt, %mul3A_2, %sign3A : i32
    %sign3A_4 = arith.extui %sign3A_3 : i1 to i32
    %sign3A_5 = arith.constant 0 : i32
    %sign3A_6 = arith.cmpi slt, %mul3A_2, %sign3A_5 : i32
    %sign3A_7 = arith.extui %sign3A_6 : i1 to i32
    %sign3A_8 = arith.subi %sign3A_4, %sign3A_7 : i32
    %sign3A_9 = arith.constant 0 : i32
    %sign3A_10 = arith.cmpi sgt, %jit3A, %sign3A_9 : i32
    %sign3A_11 = arith.extui %sign3A_10 : i1 to i32
    %sign3A_12 = arith.constant 0 : i32
    %sign3A_13 = arith.cmpi slt, %jit3A, %sign3A_12 : i32
    %sign3A_14 = arith.extui %sign3A_13 : i1 to i32
    %sign3A_15 = arith.subi %sign3A_11, %sign3A_14 : i32
    %ne3A = arith.cmpi ne, %sign3A_8, %sign3A_15 : i32
    %rem3A = arith.remsi %mul3A_2, %jit3A : i32
    %ne3A_16 = arith.constant 0 : i32
    %ne3A_17 = arith.cmpi ne, %rem3A, %ne3A_16 : i32
    %and3A = arith.andi %ne3A, %ne3A_17 : i1
    %sub3A = arith.constant 1 : i32
    %sub3A_18 = arith.subi %div3A, %sub3A : i32
    %select_n3A = arith.select %and3A, %sub3A_18, %div3A : i32
    %mul3A_19 = arith.constant 4096 : i32
    %mul3A_20 = arith.muli %select_n3A, %mul3A_19 : i32
    %sub3A_21 = arith.subi %mul3A_2, %mul3A_20 : i32
    %mul3A_22 = arith.constant 4096 : i32
    %mul3A_23 = arith.muli %select_n3A, %mul3A_22 : i32
    "tpu.region"() ({
      %run_scoped3A = tpu.sem_alloc : memref<!tpu.dma_semaphore, #tpu.memory_space<semaphore_mem>>
      %dma_start3A = tpu.memref_slice %arg2[%mul3A_23] : memref<32768xf32, #tpu.memory_space<hbm>> -> memref<4096xf32, #tpu.memory_space<hbm>>
      %dma_start3A_33 = tpu.memref_slice %arg2[%mul3A_23] : memref<32768xf32, #tpu.memory_space<hbm>> -> memref<4096xf32, #tpu.memory_space<hbm>>
      tpu.enqueue_dma source(%dma_start3A_33 : memref<4096xf32, #tpu.memory_space<hbm>>) target(%arg14 : memref<4096xf32, #tpu.memory_space<vmem>>) target_semaphore(%run_scoped3A : memref<!tpu.dma_semaphore, #tpu.memory_space<semaphore_mem>>)
      %dma_wait3A = tpu.memref_slice %arg2[%mul3A_23] : memref<32768xf32, #tpu.memory_space<hbm>> -> memref<4096xf32, #tpu.memory_space<hbm>>
      %dma_wait3A_34 = tpu.memref_slice %arg2[%mul3A_23] : memref<32768xf32, #tpu.memory_space<hbm>> -> memref<4096xf32, #tpu.memory_space<hbm>>
      tpu.wait_dma2 semaphore(%run_scoped3A : memref<!tpu.dma_semaphore, #tpu.memory_space<semaphore_mem>>) src(%dma_wait3A_34 : memref<4096xf32, #tpu.memory_space<hbm>>) dst(%arg14 : memref<4096xf32, #tpu.memory_space<vmem>>)
      tpu.yield
    }) : () -> ()
    %mul3A_24 = arith.constant 4096 : i32
    %mul3A_25 = arith.muli %select_n3A, %mul3A_24 : i32
    "tpu.region"() ({
      %run_scoped3A = tpu.sem_alloc : memref<!tpu.dma_semaphore, #tpu.memory_space<semaphore_mem>>
      %dma_start3A = tpu.memref_slice %arg3[%mul3A_25] : memref<32768xf32, #tpu.memory_space<hbm>> -> memref<4096xf32, #tpu.memory_space<hbm>>
      %dma_start3A_33 = tpu.memref_slice %arg3[%mul3A_25] : memref<32768xf32, #tpu.memory_space<hbm>> -> memref<4096xf32, #tpu.memory_space<hbm>>
      tpu.enqueue_dma source(%dma_start3A_33 : memref<4096xf32, #tpu.memory_space<hbm>>) target(%arg15 : memref<4096xf32, #tpu.memory_space<vmem>>) target_semaphore(%run_scoped3A : memref<!tpu.dma_semaphore, #tpu.memory_space<semaphore_mem>>)
      %dma_wait3A = tpu.memref_slice %arg3[%mul3A_25] : memref<32768xf32, #tpu.memory_space<hbm>> -> memref<4096xf32, #tpu.memory_space<hbm>>
      %dma_wait3A_34 = tpu.memref_slice %arg3[%mul3A_25] : memref<32768xf32, #tpu.memory_space<hbm>> -> memref<4096xf32, #tpu.memory_space<hbm>>
      tpu.wait_dma2 semaphore(%run_scoped3A : memref<!tpu.dma_semaphore, #tpu.memory_space<semaphore_mem>>) src(%dma_wait3A_34 : memref<4096xf32, #tpu.memory_space<hbm>>) dst(%arg15 : memref<4096xf32, #tpu.memory_space<vmem>>)
      tpu.yield
    }) : () -> ()
    %mul3A_26 = arith.constant 4096 : i32
    %mul3A_27 = arith.muli %select_n3A, %mul3A_26 : i32
    "tpu.region"() ({
      %run_scoped3A = tpu.sem_alloc : memref<!tpu.dma_semaphore, #tpu.memory_space<semaphore_mem>>
      %dma_start3A = tpu.memref_slice %arg4[%mul3A_27] : memref<32768xf32, #tpu.memory_space<hbm>> -> memref<4096xf32, #tpu.memory_space<hbm>>
      %dma_start3A_33 = tpu.memref_slice %arg4[%mul3A_27] : memref<32768xf32, #tpu.memory_space<hbm>> -> memref<4096xf32, #tpu.memory_space<hbm>>
      tpu.enqueue_dma source(%dma_start3A_33 : memref<4096xf32, #tpu.memory_space<hbm>>) target(%arg16 : memref<4096xf32, #tpu.memory_space<vmem>>) target_semaphore(%run_scoped3A : memref<!tpu.dma_semaphore, #tpu.memory_space<semaphore_mem>>)
      %dma_wait3A = tpu.memref_slice %arg4[%mul3A_27] : memref<32768xf32, #tpu.memory_space<hbm>> -> memref<4096xf32, #tpu.memory_space<hbm>>
      %dma_wait3A_34 = tpu.memref_slice %arg4[%mul3A_27] : memref<32768xf32, #tpu.memory_space<hbm>> -> memref<4096xf32, #tpu.memory_space<hbm>>
      tpu.wait_dma2 semaphore(%run_scoped3A : memref<!tpu.dma_semaphore, #tpu.memory_space<semaphore_mem>>) src(%dma_wait3A_34 : memref<4096xf32, #tpu.memory_space<hbm>>) dst(%arg16 : memref<4096xf32, #tpu.memory_space<vmem>>)
      tpu.yield
    }) : () -> ()
    "tpu.region"() ({
      %run_scoped3A = tpu.sem_alloc : memref<!tpu.dma_semaphore, #tpu.memory_space<semaphore_mem>>
      %dma_start3A = tpu.memref_slice %arg5[%sub3A_21] : memref<4096xf32, #tpu.memory_space<hbm>> -> memref<1024xf32, #tpu.memory_space<hbm>>
      %dma_start3A_33 = tpu.memref_slice %arg5[%sub3A_21] : memref<4096xf32, #tpu.memory_space<hbm>> -> memref<1024xf32, #tpu.memory_space<hbm>>
      tpu.enqueue_dma source(%dma_start3A_33 : memref<1024xf32, #tpu.memory_space<hbm>>) target(%arg17 : memref<1024xf32, #tpu.memory_space<vmem>>) target_semaphore(%run_scoped3A : memref<!tpu.dma_semaphore, #tpu.memory_space<semaphore_mem>>)
      %dma_wait3A = tpu.memref_slice %arg5[%sub3A_21] : memref<4096xf32, #tpu.memory_space<hbm>> -> memref<1024xf32, #tpu.memory_space<hbm>>
      %dma_wait3A_34 = tpu.memref_slice %arg5[%sub3A_21] : memref<4096xf32, #tpu.memory_space<hbm>> -> memref<1024xf32, #tpu.memory_space<hbm>>
      tpu.wait_dma2 semaphore(%run_scoped3A : memref<!tpu.dma_semaphore, #tpu.memory_space<semaphore_mem>>) src(%dma_wait3A_34 : memref<1024xf32, #tpu.memory_space<hbm>>) dst(%arg17 : memref<1024xf32, #tpu.memory_space<vmem>>)
      tpu.yield
    }) : () -> ()
    "tpu.region"() ({
      %run_scoped3A = tpu.sem_alloc : memref<!tpu.dma_semaphore, #tpu.memory_space<semaphore_mem>>
      %dma_start3A = tpu.memref_slice %arg6[%sub3A_21] : memref<4096xf32, #tpu.memory_space<hbm>> -> memref<1024xf32, #tpu.memory_space<hbm>>
      %dma_start3A_33 = tpu.memref_slice %arg6[%sub3A_21] : memref<4096xf32, #tpu.memory_space<hbm>> -> memref<1024xf32, #tpu.memory_space<hbm>>
      tpu.enqueue_dma source(%dma_start3A_33 : memref<1024xf32, #tpu.memory_space<hbm>>) target(%arg18 : memref<1024xf32, #tpu.memory_space<vmem>>) target_semaphore(%run_scoped3A : memref<!tpu.dma_semaphore, #tpu.memory_space<semaphore_mem>>)
      %dma_wait3A = tpu.memref_slice %arg6[%sub3A_21] : memref<4096xf32, #tpu.memory_space<hbm>> -> memref<1024xf32, #tpu.memory_space<hbm>>
      %dma_wait3A_34 = tpu.memref_slice %arg6[%sub3A_21] : memref<4096xf32, #tpu.memory_space<hbm>> -> memref<1024xf32, #tpu.memory_space<hbm>>
      tpu.wait_dma2 semaphore(%run_scoped3A : memref<!tpu.dma_semaphore, #tpu.memory_space<semaphore_mem>>) src(%dma_wait3A_34 : memref<1024xf32, #tpu.memory_space<hbm>>) dst(%arg18 : memref<1024xf32, #tpu.memory_space<vmem>>)
      tpu.yield
    }) : () -> ()
    "tpu.region"() ({
      %run_scoped3A = tpu.sem_alloc : memref<!tpu.dma_semaphore, #tpu.memory_space<semaphore_mem>>
      %dma_start3A = tpu.memref_slice %arg7[%sub3A_21] : memref<4096xf32, #tpu.memory_space<hbm>> -> memref<1024xf32, #tpu.memory_space<hbm>>
      %dma_start3A_33 = tpu.memref_slice %arg7[%sub3A_21] : memref<4096xf32, #tpu.memory_space<hbm>> -> memref<1024xf32, #tpu.memory_space<hbm>>
      tpu.enqueue_dma source(%dma_start3A_33 : memref<1024xf32, #tpu.memory_space<hbm>>) target(%arg19 : memref<1024xf32, #tpu.memory_space<vmem>>) target_semaphore(%run_scoped3A : memref<!tpu.dma_semaphore, #tpu.memory_space<semaphore_mem>>)
      %dma_wait3A = tpu.memref_slice %arg7[%sub3A_21] : memref<4096xf32, #tpu.memory_space<hbm>> -> memref<1024xf32, #tpu.memory_space<hbm>>
      %dma_wait3A_34 = tpu.memref_slice %arg7[%sub3A_21] : memref<4096xf32, #tpu.memory_space<hbm>> -> memref<1024xf32, #tpu.memory_space<hbm>>
      tpu.wait_dma2 semaphore(%run_scoped3A : memref<!tpu.dma_semaphore, #tpu.memory_space<semaphore_mem>>) src(%dma_wait3A_34 : memref<1024xf32, #tpu.memory_space<hbm>>) dst(%arg19 : memref<1024xf32, #tpu.memory_space<vmem>>)
      tpu.yield
    }) : () -> ()
    "tpu.region"() ({
      %run_scoped3A = tpu.sem_alloc : memref<!tpu.dma_semaphore, #tpu.memory_space<semaphore_mem>>
      %dma_start3A = tpu.memref_slice %arg8[%mul3A_2] : memref<32768xi32, #tpu.memory_space<hbm>> -> memref<1024xi32, #tpu.memory_space<hbm>>
      %dma_start3A_33 = tpu.memref_slice %arg8[%mul3A_2] : memref<32768xi32, #tpu.memory_space<hbm>> -> memref<1024xi32, #tpu.memory_space<hbm>>
      tpu.enqueue_dma source(%dma_start3A_33 : memref<1024xi32, #tpu.memory_space<hbm>>) target(%arg13 : memref<1024xi32, #tpu.memory_space<vmem>>) target_semaphore(%run_scoped3A : memref<!tpu.dma_semaphore, #tpu.memory_space<semaphore_mem>>)
      %dma_wait3A = tpu.memref_slice %arg8[%mul3A_2] : memref<32768xi32, #tpu.memory_space<hbm>> -> memref<1024xi32, #tpu.memory_space<hbm>>
      %dma_wait3A_34 = tpu.memref_slice %arg8[%mul3A_2] : memref<32768xi32, #tpu.memory_space<hbm>> -> memref<1024xi32, #tpu.memory_space<hbm>>
      tpu.wait_dma2 semaphore(%run_scoped3A : memref<!tpu.dma_semaphore, #tpu.memory_space<semaphore_mem>>) src(%dma_wait3A_34 : memref<1024xi32, #tpu.memory_space<hbm>>) dst(%arg13 : memref<1024xi32, #tpu.memory_space<vmem>>)
      tpu.yield
    }) : () -> ()
    %scan3A = arith.constant 0 : i32
    %scan3A_28 = arith.constant 0 : i32
    %scan3A_29 = arith.constant 64 : i32
    %scan3A_30 = arith.addi %scan3A_28, %scan3A_29 : i32
    %scan3A_31 = arith.constant 1 : i32
    scf.for %scan3A_33 = %scan3A_28 to %scan3A_30 step %scan3A_31  : i32 {
      %mul3A_34 = arith.constant 16 : i32
      %mul3A_35 = arith.muli %scan3A_33, %mul3A_34 : i32
      %get3A = arith.index_cast %mul3A_35 : i32 to index
      %get3A_36 = tpu.vector_load %arg13[%get3A] {strides = array<i32>} : memref<1024xi32, #tpu.memory_space<vmem>>, vector<16xi32>,
      %gather3A = tpu.vector_load_idx %arg14[%get3A_36] : memref<4096xf32, #tpu.memory_space<vmem>>[vector<16xi32>], vector<16xf32>,
      %gather3A_37 = tpu.vector_load_idx %arg15[%get3A_36] : memref<4096xf32, #tpu.memory_space<vmem>>[vector<16xi32>], vector<16xf32>,
      %gather3A_38 = tpu.vector_load_idx %arg16[%get3A_36] : memref<4096xf32, #tpu.memory_space<vmem>>[vector<16xi32>], vector<16xf32>,
      %get3A_39 = arith.index_cast %mul3A_35 : i32 to index
      %get3A_40 = tpu.vector_load %arg17[%get3A_39] {strides = array<i32>} : memref<1024xf32, #tpu.memory_space<vmem>>, vector<16xf32>,
      %sub3A_41 = arith.subf %gather3A, %get3A_40 : vector<16xf32>
      %get3A_42 = arith.index_cast %mul3A_35 : i32 to index
      %get3A_43 = tpu.vector_load %arg18[%get3A_42] {strides = array<i32>} : memref<1024xf32, #tpu.memory_space<vmem>>, vector<16xf32>,
      %sub3A_44 = arith.subf %gather3A_37, %get3A_43 : vector<16xf32>
      %get3A_45 = arith.index_cast %mul3A_35 : i32 to index
      %get3A_46 = tpu.vector_load %arg19[%get3A_45] {strides = array<i32>} : memref<1024xf32, #tpu.memory_space<vmem>>, vector<16xf32>,
      %sub3A_47 = arith.subf %gather3A_38, %get3A_46 : vector<16xf32>
      %mul3A_48 = arith.mulf %sub3A_41, %sub3A_41 : vector<16xf32>
      %mul3A_49 = arith.mulf %sub3A_44, %sub3A_44 : vector<16xf32>
      %add3A_50 = arith.addf %mul3A_48, %mul3A_49 : vector<16xf32>
      %mul3A_51 = arith.mulf %sub3A_47, %sub3A_47 : vector<16xf32>
      %add3A_52 = arith.addf %add3A_50, %mul3A_51 : vector<16xf32>
      %add3A_53 = arith.constant 9.99999996E-13 : f32
      %add3A_54 = vector.broadcast %add3A_53 : f32 to vector<16xf32>
      %add3A_55 = arith.addf %add3A_52, %add3A_54 : vector<16xf32>
      %bitcast3A = vector.bitcast %add3A_55 : vector<16xf32> to vector<16xi32>
      %shift_right_arithmetic3A = arith.constant 1 : i32
      %shift_right_arithmetic3A_56 = vector.broadcast %shift_right_arithmetic3A : i32 to vector<16xi32>
      %shift_right_arithmetic3A_57 = arith.shrsi %bitcast3A, %shift_right_arithmetic3A_56 : vector<16xi32>
      %sub3A_58 = arith.constant 1597463007 : i32
      %sub3A_59 = vector.broadcast %sub3A_58 : i32 to vector<16xi32>
      %sub3A_60 = arith.subi %sub3A_59, %shift_right_arithmetic3A_57 : vector<16xi32>
      %bitcast3A_61 = vector.bitcast %sub3A_60 : vector<16xi32> to vector<16xf32>
      %mul3A_62 = arith.constant 5.000000e-01 : f32
      %mul3A_63 = vector.broadcast %mul3A_62 : f32 to vector<16xf32>
      %mul3A_64 = arith.mulf %mul3A_63, %add3A_55 : vector<16xf32>
      %mul3A_65 = arith.mulf %mul3A_64, %bitcast3A_61 : vector<16xf32>
      %mul3A_66 = arith.mulf %mul3A_65, %bitcast3A_61 : vector<16xf32>
      %sub3A_67 = arith.constant 1.500000e+00 : f32
      %sub3A_68 = vector.broadcast %sub3A_67 : f32 to vector<16xf32>
      %sub3A_69 = arith.subf %sub3A_68, %mul3A_66 : vector<16xf32>
      %mul3A_70 = arith.mulf %bitcast3A_61, %sub3A_69 : vector<16xf32>
      %mul3A_71 = arith.constant 5.000000e-01 : f32
      %mul3A_72 = vector.broadcast %mul3A_71 : f32 to vector<16xf32>
      %mul3A_73 = arith.mulf %mul3A_72, %add3A_55 : vector<16xf32>
      %mul3A_74 = arith.mulf %mul3A_73, %mul3A_70 : vector<16xf32>
      %mul3A_75 = arith.mulf %mul3A_74, %mul3A_70 : vector<16xf32>
      %sub3A_76 = arith.constant 1.500000e+00 : f32
      %sub3A_77 = vector.broadcast %sub3A_76 : f32 to vector<16xf32>
      %sub3A_78 = arith.subf %sub3A_77, %mul3A_75 : vector<16xf32>
      %mul3A_79 = arith.mulf %mul3A_70, %sub3A_78 : vector<16xf32>
      %mul3A_80 = arith.constant 5.000000e-01 : f32
      %mul3A_81 = vector.broadcast %mul3A_80 : f32 to vector<16xf32>
      %mul3A_82 = arith.mulf %mul3A_81, %add3A_55 : vector<16xf32>
      %mul3A_83 = arith.mulf %mul3A_82, %mul3A_79 : vector<16xf32>
      %mul3A_84 = arith.mulf %mul3A_83, %mul3A_79 : vector<16xf32>
      %sub3A_85 = arith.constant 1.500000e+00 : f32
      %sub3A_86 = vector.broadcast %sub3A_85 : f32 to vector<16xf32>
      %sub3A_87 = arith.subf %sub3A_86, %mul3A_84 : vector<16xf32>
      %mul3A_88 = arith.mulf %mul3A_79, %sub3A_87 : vector<16xf32>
      %mul3A_89 = arith.mulf %add3A_55, %mul3A_88 : vector<16xf32>
      %swap3A = arith.index_cast %mul3A_35 : i32 to index
      %swap3A_90 = tpu.vector_load %arg20[%swap3A] {strides = array<i32>} : memref<1024xf32, #tpu.memory_space<vmem>>, vector<16xf32>,
      tpu.vector_store %arg20[%swap3A], %mul3A_89 {strides = array<i32>} : memref<1024xf32, #tpu.memory_space<vmem>>, vector<16xf32>,
      %swap3A_91 = arith.index_cast %mul3A_35 : i32 to index
      %swap3A_92 = tpu.vector_load %arg21[%swap3A_91] {strides = array<i32>} : memref<1024xf32, #tpu.memory_space<vmem>>, vector<16xf32>,
      tpu.vector_store %arg21[%swap3A_91], %sub3A_41 {strides = array<i32>} : memref<1024xf32, #tpu.memory_space<vmem>>, vector<16xf32>,
      %swap3A_93 = arith.index_cast %mul3A_35 : i32 to index
      %swap3A_94 = tpu.vector_load %arg22[%swap3A_93] {strides = array<i32>} : memref<1024xf32, #tpu.memory_space<vmem>>, vector<16xf32>,
      tpu.vector_store %arg22[%swap3A_93], %sub3A_44 {strides = array<i32>} : memref<1024xf32, #tpu.memory_space<vmem>>, vector<16xf32>,
      %swap3A_95 = arith.index_cast %mul3A_35 : i32 to index
      %swap3A_96 = tpu.vector_load %arg23[%swap3A_95] {strides = array<i32>} : memref<1024xf32, #tpu.memory_space<vmem>>, vector<16xf32>,
      tpu.vector_store %arg23[%swap3A_95], %sub3A_47 {strides = array<i32>} : memref<1024xf32, #tpu.memory_space<vmem>>, vector<16xf32>,
    }
    %scan3A_32 = arith.constant 64 : i32
    "tpu.region"() ({
      %run_scoped3A = tpu.sem_alloc : memref<!tpu.dma_semaphore, #tpu.memory_space<semaphore_mem>>
      %dma_start3A = tpu.memref_slice %arg9[%mul3A_2] : memref<32768xf32, #tpu.memory_space<hbm>> -> memref<1024xf32, #tpu.memory_space<hbm>>
      %dma_start3A_33 = tpu.memref_slice %arg9[%mul3A_2] : memref<32768xf32, #tpu.memory_space<hbm>> -> memref<1024xf32, #tpu.memory_space<hbm>>
      tpu.enqueue_dma source(%arg20 : memref<1024xf32, #tpu.memory_space<vmem>>) target(%dma_start3A_33 : memref<1024xf32, #tpu.memory_space<hbm>>) target_semaphore(%run_scoped3A : memref<!tpu.dma_semaphore, #tpu.memory_space<semaphore_mem>>)
      %dma_wait3A = tpu.memref_slice %arg9[%mul3A_2] : memref<32768xf32, #tpu.memory_space<hbm>> -> memref<1024xf32, #tpu.memory_space<hbm>>
      %dma_wait3A_34 = tpu.memref_slice %arg9[%mul3A_2] : memref<32768xf32, #tpu.memory_space<hbm>> -> memref<1024xf32, #tpu.memory_space<hbm>>
      tpu.wait_dma2 semaphore(%run_scoped3A : memref<!tpu.dma_semaphore, #tpu.memory_space<semaphore_mem>>) src(%arg20 : memref<1024xf32, #tpu.memory_space<vmem>>) dst(%dma_wait3A_34 : memref<1024xf32, #tpu.memory_space<hbm>>)
      tpu.yield
    }) : () -> ()
    "tpu.region"() ({
      %run_scoped3A = tpu.sem_alloc : memref<!tpu.dma_semaphore, #tpu.memory_space<semaphore_mem>>
      %dma_start3A = tpu.memref_slice %arg10[%mul3A_2] : memref<32768xf32, #tpu.memory_space<hbm>> -> memref<1024xf32, #tpu.memory_space<hbm>>
      %dma_start3A_33 = tpu.memref_slice %arg10[%mul3A_2] : memref<32768xf32, #tpu.memory_space<hbm>> -> memref<1024xf32, #tpu.memory_space<hbm>>
      tpu.enqueue_dma source(%arg21 : memref<1024xf32, #tpu.memory_space<vmem>>) target(%dma_start3A_33 : memref<1024xf32, #tpu.memory_space<hbm>>) target_semaphore(%run_scoped3A : memref<!tpu.dma_semaphore, #tpu.memory_space<semaphore_mem>>)
      %dma_wait3A = tpu.memref_slice %arg10[%mul3A_2] : memref<32768xf32, #tpu.memory_space<hbm>> -> memref<1024xf32, #tpu.memory_space<hbm>>
      %dma_wait3A_34 = tpu.memref_slice %arg10[%mul3A_2] : memref<32768xf32, #tpu.memory_space<hbm>> -> memref<1024xf32, #tpu.memory_space<hbm>>
      tpu.wait_dma2 semaphore(%run_scoped3A : memref<!tpu.dma_semaphore, #tpu.memory_space<semaphore_mem>>) src(%arg21 : memref<1024xf32, #tpu.memory_space<vmem>>) dst(%dma_wait3A_34 : memref<1024xf32, #tpu.memory_space<hbm>>)
      tpu.yield
    }) : () -> ()
    "tpu.region"() ({
      %run_scoped3A = tpu.sem_alloc : memref<!tpu.dma_semaphore, #tpu.memory_space<semaphore_mem>>
      %dma_start3A = tpu.memref_slice %arg11[%mul3A_2] : memref<32768xf32, #tpu.memory_space<hbm>> -> memref<1024xf32, #tpu.memory_space<hbm>>
      %dma_start3A_33 = tpu.memref_slice %arg11[%mul3A_2] : memref<32768xf32, #tpu.memory_space<hbm>> -> memref<1024xf32, #tpu.memory_space<hbm>>
      tpu.enqueue_dma source(%arg22 : memref<1024xf32, #tpu.memory_space<vmem>>) target(%dma_start3A_33 : memref<1024xf32, #tpu.memory_space<hbm>>) target_semaphore(%run_scoped3A : memref<!tpu.dma_semaphore, #tpu.memory_space<semaphore_mem>>)
      %dma_wait3A = tpu.memref_slice %arg11[%mul3A_2] : memref<32768xf32, #tpu.memory_space<hbm>> -> memref<1024xf32, #tpu.memory_space<hbm>>
      %dma_wait3A_34 = tpu.memref_slice %arg11[%mul3A_2] : memref<32768xf32, #tpu.memory_space<hbm>> -> memref<1024xf32, #tpu.memory_space<hbm>>
      tpu.wait_dma2 semaphore(%run_scoped3A : memref<!tpu.dma_semaphore, #tpu.memory_space<semaphore_mem>>) src(%arg22 : memref<1024xf32, #tpu.memory_space<vmem>>) dst(%dma_wait3A_34 : memref<1024xf32, #tpu.memory_space<hbm>>)
      tpu.yield
    }) : () -> ()
    "tpu.region"() ({
      %run_scoped3A = tpu.sem_alloc : memref<!tpu.dma_semaphore, #tpu.memory_space<semaphore_mem>>
      %dma_start3A = tpu.memref_slice %arg12[%mul3A_2] : memref<32768xf32, #tpu.memory_space<hbm>> -> memref<1024xf32, #tpu.memory_space<hbm>>
      %dma_start3A_33 = tpu.memref_slice %arg12[%mul3A_2] : memref<32768xf32, #tpu.memory_space<hbm>> -> memref<1024xf32, #tpu.memory_space<hbm>>
      tpu.enqueue_dma source(%arg23 : memref<1024xf32, #tpu.memory_space<vmem>>) target(%dma_start3A_33 : memref<1024xf32, #tpu.memory_space<hbm>>) target_semaphore(%run_scoped3A : memref<!tpu.dma_semaphore, #tpu.memory_space<semaphore_mem>>)
      %dma_wait3A = tpu.memref_slice %arg12[%mul3A_2] : memref<32768xf32, #tpu.memory_space<hbm>> -> memref<1024xf32, #tpu.memory_space<hbm>>
      %dma_wait3A_34 = tpu.memref_slice %arg12[%mul3A_2] : memref<32768xf32, #tpu.memory_space<hbm>> -> memref<1024xf32, #tpu.memory_space<hbm>>
      tpu.wait_dma2 semaphore(%run_scoped3A : memref<!tpu.dma_semaphore, #tpu.memory_space<semaphore_mem>>) src(%arg23 : memref<1024xf32, #tpu.memory_space<vmem>>) dst(%dma_wait3A_34 : memref<1024xf32, #tpu.memory_space<hbm>>)
      tpu.yield
    }) : () -> ()
    return
  }
}

module attributes {stable_mosaic.version = 14 : i64} {
  func.func @_tc_body(%arg0: i32, %arg1: i32, %arg2: memref<4096x8xf32, #tpu.memory_space<vmem>>, %arg3: memref<4096x1xf32, #tpu.memory_space<vmem>>, %arg4: memref<1x8x4096xf32, #tpu.memory_space<vmem>>, %arg5: memref<1x1x4096xf32, #tpu.memory_space<vmem>>, %arg6: memref<1x1x4096xf32, #tpu.memory_space<vmem>>, %arg7: memref<1x1x4096xi32, #tpu.memory_space<vmem>>) attributes {dimension_semantics = [#tpu.dimension_semantics<arbitrary>, #tpu.dimension_semantics<arbitrary>], iteration_bounds = array<i64: 8, 1>, scalar_prefetch = 0 : i64, scratch_operands = 0 : i64, tpu.core_type = #tpu.core_type<tc>, window_params = [{transform_indices = @transform_0, window_bounds = array<i64: 4096, 8>}, {transform_indices = @transform_1, window_bounds = array<i64: 4096, 1>}, {transform_indices = @transform_2, window_bounds = array<i64: 1, 8, 4096>}, {transform_indices = @transform_3, window_bounds = array<i64: 1, 1, 4096>}, {pipeline_mode = #tpu.pipeline_mode<synchronous>, transform_indices = @transform_4, window_bounds = array<i64: 1, 1, 4096>}, {transform_indices = @transform_5, window_bounds = array<i64: 1, 1, 4096>}]} {
    %get3A = arith.constant 0 : index
    %get3A_0 = arith.constant 0 : index
    %get3A_1 = vector.load %arg2[%get3A, %get3A_0] : memref<4096x8xf32, #tpu.memory_space<vmem>>, vector<4096x8xf32>
    %get3A_2 = arith.constant 0 : index
    %get3A_3 = arith.constant 0 : index
    %get3A_4 = vector.load %arg3[%get3A_2, %get3A_3] : memref<4096x1xf32, #tpu.memory_space<vmem>>, vector<4096x1xf32>
    %broadcast_in_dim3A = arith.constant 0x7F800000 : f32
    %broadcast_in_dim3A_5 = vector.broadcast %broadcast_in_dim3A : f32 to vector<4096x128xf32>
    %broadcast_in_dim3A_6 = arith.constant 0.000000e+00 : f32
    %broadcast_in_dim3A_7 = vector.broadcast %broadcast_in_dim3A_6 : f32 to vector<4096x128xf32>
    %get3A_8 = arith.constant 0 : index
    %get3A_9 = arith.constant 0 : index
    %get3A_10 = arith.constant 0 : index
    %get3A_11 = vector.load %arg4[%get3A_8, %get3A_9, %get3A_10] : memref<1x8x4096xf32, #tpu.memory_space<vmem>>, vector<1x8x512xf32>
    %get3A_12 = vector.shape_cast %get3A_11 : vector<1x8x512xf32> to vector<8x512xf32>
    %dot_general3A = arith.constant dense<0.000000e+00> : vector<4096x512xf32>
    %dot_general3A_13 = tpu.matmul %get3A_1, %get3A_12, %dot_general3A {dimension_numbers = #tpu.dot_dimension_numbers<[1], [0], [0], [1], [0, 0, 1, 1], [], []>, transpose_lhs_hint = false} : vector<4096x8xf32>, vector<8x512xf32>, vector<4096x512xf32> -> vector<4096x512xf32>
    %get3A_14 = arith.constant 0 : index
    %get3A_15 = arith.constant 0 : index
    %get3A_16 = arith.constant 0 : index
    %get3A_17 = vector.load %arg5[%get3A_14, %get3A_15, %get3A_16] : memref<1x1x4096xf32, #tpu.memory_space<vmem>>, vector<1x1x512xf32>
    %get3A_18 = vector.shape_cast %get3A_17 : vector<1x1x512xf32> to vector<1x512xf32>
    %add3A = vector.broadcast %get3A_4 : vector<4096x1xf32> to vector<4096x512xf32>
    %add3A_19 = vector.broadcast %get3A_18 : vector<1x512xf32> to vector<4096x512xf32>
    %add3A_20 = arith.addf %add3A, %add3A_19 : vector<4096x512xf32>
    %sub3A = arith.subf %add3A_20, %dot_general3A_13 : vector<4096x512xf32>
    %slice3A = vector.extract_strided_slice %sub3A {offsets = [0, 0], sizes = [4096, 128], strides = [1, 1]} : vector<4096x512xf32> to vector<4096x128xf32>
    %get3A_21 = arith.constant 0 : index
    %get3A_22 = arith.constant 0 : index
    %get3A_23 = arith.constant 0 : index
    %get3A_24 = vector.load %arg6[%get3A_21, %get3A_22, %get3A_23] : memref<1x1x4096xf32, #tpu.memory_space<vmem>>, vector<1x1x128xf32>
    %get3A_25 = vector.shape_cast %get3A_24 : vector<1x1x128xf32> to vector<1x128xf32>
    %lt3A = arith.cmpf olt, %slice3A, %broadcast_in_dim3A_5 : vector<4096x128xf32>
    %broadcast_in_dim3A_26 = vector.shape_cast %get3A_25 : vector<1x128xf32> to vector<1x128xf32>
    %broadcast_in_dim3A_27 = vector.broadcast %broadcast_in_dim3A_26 : vector<1x128xf32> to vector<4096x128xf32>
    %select_n3A = arith.select %lt3A, %broadcast_in_dim3A_27, %broadcast_in_dim3A_7 : vector<4096x128xi1>, vector<4096x128xf32>
    %min3A = arith.minimumf %broadcast_in_dim3A_5, %slice3A : vector<4096x128xf32>
    %slice3A_28 = vector.extract_strided_slice %sub3A {offsets = [0, 128], sizes = [4096, 128], strides = [1, 1]} : vector<4096x512xf32> to vector<4096x128xf32>
    %get3A_29 = arith.constant 0 : index
    %get3A_30 = arith.constant 0 : index
    %get3A_31 = arith.constant 128 : index
    %get3A_32 = vector.load %arg6[%get3A_29, %get3A_30, %get3A_31] : memref<1x1x4096xf32, #tpu.memory_space<vmem>>, vector<1x1x128xf32>
    %get3A_33 = vector.shape_cast %get3A_32 : vector<1x1x128xf32> to vector<1x128xf32>
    %lt3A_34 = arith.cmpf olt, %slice3A_28, %min3A : vector<4096x128xf32>
    %broadcast_in_dim3A_35 = vector.shape_cast %get3A_33 : vector<1x128xf32> to vector<1x128xf32>
    %broadcast_in_dim3A_36 = vector.broadcast %broadcast_in_dim3A_35 : vector<1x128xf32> to vector<4096x128xf32>
    %select_n3A_37 = arith.select %lt3A_34, %broadcast_in_dim3A_36, %select_n3A : vector<4096x128xi1>, vector<4096x128xf32>
    %min3A_38 = arith.minimumf %min3A, %slice3A_28 : vector<4096x128xf32>
    %slice3A_39 = vector.extract_strided_slice %sub3A {offsets = [0, 256], sizes = [4096, 128], strides = [1, 1]} : vector<4096x512xf32> to vector<4096x128xf32>
    %get3A_40 = arith.constant 0 : index
    %get3A_41 = arith.constant 0 : index
    %get3A_42 = arith.constant 256 : index
    %get3A_43 = vector.load %arg6[%get3A_40, %get3A_41, %get3A_42] : memref<1x1x4096xf32, #tpu.memory_space<vmem>>, vector<1x1x128xf32>
    %get3A_44 = vector.shape_cast %get3A_43 : vector<1x1x128xf32> to vector<1x128xf32>
    %lt3A_45 = arith.cmpf olt, %slice3A_39, %min3A_38 : vector<4096x128xf32>
    %broadcast_in_dim3A_46 = vector.shape_cast %get3A_44 : vector<1x128xf32> to vector<1x128xf32>
    %broadcast_in_dim3A_47 = vector.broadcast %broadcast_in_dim3A_46 : vector<1x128xf32> to vector<4096x128xf32>
    %select_n3A_48 = arith.select %lt3A_45, %broadcast_in_dim3A_47, %select_n3A_37 : vector<4096x128xi1>, vector<4096x128xf32>
    %min3A_49 = arith.minimumf %min3A_38, %slice3A_39 : vector<4096x128xf32>
    %slice3A_50 = vector.extract_strided_slice %sub3A {offsets = [0, 384], sizes = [4096, 128], strides = [1, 1]} : vector<4096x512xf32> to vector<4096x128xf32>
    %get3A_51 = arith.constant 0 : index
    %get3A_52 = arith.constant 0 : index
    %get3A_53 = arith.constant 384 : index
    %get3A_54 = vector.load %arg6[%get3A_51, %get3A_52, %get3A_53] : memref<1x1x4096xf32, #tpu.memory_space<vmem>>, vector<1x1x128xf32>
    %get3A_55 = vector.shape_cast %get3A_54 : vector<1x1x128xf32> to vector<1x128xf32>
    %lt3A_56 = arith.cmpf olt, %slice3A_50, %min3A_49 : vector<4096x128xf32>
    %broadcast_in_dim3A_57 = vector.shape_cast %get3A_55 : vector<1x128xf32> to vector<1x128xf32>
    %broadcast_in_dim3A_58 = vector.broadcast %broadcast_in_dim3A_57 : vector<1x128xf32> to vector<4096x128xf32>
    %select_n3A_59 = arith.select %lt3A_56, %broadcast_in_dim3A_58, %select_n3A_48 : vector<4096x128xi1>, vector<4096x128xf32>
    %min3A_60 = arith.minimumf %min3A_49, %slice3A_50 : vector<4096x128xf32>
    %get3A_61 = arith.constant 0 : index
    %get3A_62 = arith.constant 0 : index
    %get3A_63 = arith.constant 512 : index
    %get3A_64 = vector.load %arg4[%get3A_61, %get3A_62, %get3A_63] : memref<1x8x4096xf32, #tpu.memory_space<vmem>>, vector<1x8x512xf32>
    %get3A_65 = vector.shape_cast %get3A_64 : vector<1x8x512xf32> to vector<8x512xf32>
    %dot_general3A_66 = arith.constant dense<0.000000e+00> : vector<4096x512xf32>
    %dot_general3A_67 = tpu.matmul %get3A_1, %get3A_65, %dot_general3A_66 {dimension_numbers = #tpu.dot_dimension_numbers<[1], [0], [0], [1], [0, 0, 1, 1], [], []>, transpose_lhs_hint = false} : vector<4096x8xf32>, vector<8x512xf32>, vector<4096x512xf32> -> vector<4096x512xf32>
    %get3A_68 = arith.constant 0 : index
    %get3A_69 = arith.constant 0 : index
    %get3A_70 = arith.constant 512 : index
    %get3A_71 = vector.load %arg5[%get3A_68, %get3A_69, %get3A_70] : memref<1x1x4096xf32, #tpu.memory_space<vmem>>, vector<1x1x512xf32>
    %get3A_72 = vector.shape_cast %get3A_71 : vector<1x1x512xf32> to vector<1x512xf32>
    %add3A_73 = vector.broadcast %get3A_4 : vector<4096x1xf32> to vector<4096x512xf32>
    %add3A_74 = vector.broadcast %get3A_72 : vector<1x512xf32> to vector<4096x512xf32>
    %add3A_75 = arith.addf %add3A_73, %add3A_74 : vector<4096x512xf32>
    %sub3A_76 = arith.subf %add3A_75, %dot_general3A_67 : vector<4096x512xf32>
    %slice3A_77 = vector.extract_strided_slice %sub3A_76 {offsets = [0, 0], sizes = [4096, 128], strides = [1, 1]} : vector<4096x512xf32> to vector<4096x128xf32>
    %get3A_78 = arith.constant 0 : index
    %get3A_79 = arith.constant 0 : index
    %get3A_80 = arith.constant 512 : index
    %get3A_81 = vector.load %arg6[%get3A_78, %get3A_79, %get3A_80] : memref<1x1x4096xf32, #tpu.memory_space<vmem>>, vector<1x1x128xf32>
    %get3A_82 = vector.shape_cast %get3A_81 : vector<1x1x128xf32> to vector<1x128xf32>
    %lt3A_83 = arith.cmpf olt, %slice3A_77, %min3A_60 : vector<4096x128xf32>
    %broadcast_in_dim3A_84 = vector.shape_cast %get3A_82 : vector<1x128xf32> to vector<1x128xf32>
    %broadcast_in_dim3A_85 = vector.broadcast %broadcast_in_dim3A_84 : vector<1x128xf32> to vector<4096x128xf32>
    %select_n3A_86 = arith.select %lt3A_83, %broadcast_in_dim3A_85, %select_n3A_59 : vector<4096x128xi1>, vector<4096x128xf32>
    %min3A_87 = arith.minimumf %min3A_60, %slice3A_77 : vector<4096x128xf32>
    %slice3A_88 = vector.extract_strided_slice %sub3A_76 {offsets = [0, 128], sizes = [4096, 128], strides = [1, 1]} : vector<4096x512xf32> to vector<4096x128xf32>
    %get3A_89 = arith.constant 0 : index
    %get3A_90 = arith.constant 0 : index
    %get3A_91 = arith.constant 640 : index
    %get3A_92 = vector.load %arg6[%get3A_89, %get3A_90, %get3A_91] : memref<1x1x4096xf32, #tpu.memory_space<vmem>>, vector<1x1x128xf32>
    %get3A_93 = vector.shape_cast %get3A_92 : vector<1x1x128xf32> to vector<1x128xf32>
    %lt3A_94 = arith.cmpf olt, %slice3A_88, %min3A_87 : vector<4096x128xf32>
    %broadcast_in_dim3A_95 = vector.shape_cast %get3A_93 : vector<1x128xf32> to vector<1x128xf32>
    %broadcast_in_dim3A_96 = vector.broadcast %broadcast_in_dim3A_95 : vector<1x128xf32> to vector<4096x128xf32>
    %select_n3A_97 = arith.select %lt3A_94, %broadcast_in_dim3A_96, %select_n3A_86 : vector<4096x128xi1>, vector<4096x128xf32>
    %min3A_98 = arith.minimumf %min3A_87, %slice3A_88 : vector<4096x128xf32>
    %slice3A_99 = vector.extract_strided_slice %sub3A_76 {offsets = [0, 256], sizes = [4096, 128], strides = [1, 1]} : vector<4096x512xf32> to vector<4096x128xf32>
    %get3A_100 = arith.constant 0 : index
    %get3A_101 = arith.constant 0 : index
    %get3A_102 = arith.constant 768 : index
    %get3A_103 = vector.load %arg6[%get3A_100, %get3A_101, %get3A_102] : memref<1x1x4096xf32, #tpu.memory_space<vmem>>, vector<1x1x128xf32>
    %get3A_104 = vector.shape_cast %get3A_103 : vector<1x1x128xf32> to vector<1x128xf32>
    %lt3A_105 = arith.cmpf olt, %slice3A_99, %min3A_98 : vector<4096x128xf32>
    %broadcast_in_dim3A_106 = vector.shape_cast %get3A_104 : vector<1x128xf32> to vector<1x128xf32>
    %broadcast_in_dim3A_107 = vector.broadcast %broadcast_in_dim3A_106 : vector<1x128xf32> to vector<4096x128xf32>
    %select_n3A_108 = arith.select %lt3A_105, %broadcast_in_dim3A_107, %select_n3A_97 : vector<4096x128xi1>, vector<4096x128xf32>
    %min3A_109 = arith.minimumf %min3A_98, %slice3A_99 : vector<4096x128xf32>
    %slice3A_110 = vector.extract_strided_slice %sub3A_76 {offsets = [0, 384], sizes = [4096, 128], strides = [1, 1]} : vector<4096x512xf32> to vector<4096x128xf32>
    %get3A_111 = arith.constant 0 : index
    %get3A_112 = arith.constant 0 : index
    %get3A_113 = arith.constant 896 : index
    %get3A_114 = vector.load %arg6[%get3A_111, %get3A_112, %get3A_113] : memref<1x1x4096xf32, #tpu.memory_space<vmem>>, vector<1x1x128xf32>
    %get3A_115 = vector.shape_cast %get3A_114 : vector<1x1x128xf32> to vector<1x128xf32>
    %lt3A_116 = arith.cmpf olt, %slice3A_110, %min3A_109 : vector<4096x128xf32>
    %broadcast_in_dim3A_117 = vector.shape_cast %get3A_115 : vector<1x128xf32> to vector<1x128xf32>
    %broadcast_in_dim3A_118 = vector.broadcast %broadcast_in_dim3A_117 : vector<1x128xf32> to vector<4096x128xf32>
    %select_n3A_119 = arith.select %lt3A_116, %broadcast_in_dim3A_118, %select_n3A_108 : vector<4096x128xi1>, vector<4096x128xf32>
    %min3A_120 = arith.minimumf %min3A_109, %slice3A_110 : vector<4096x128xf32>
    %get3A_121 = arith.constant 0 : index
    %get3A_122 = arith.constant 0 : index
    %get3A_123 = arith.constant 1024 : index
    %get3A_124 = vector.load %arg4[%get3A_121, %get3A_122, %get3A_123] : memref<1x8x4096xf32, #tpu.memory_space<vmem>>, vector<1x8x512xf32>
    %get3A_125 = vector.shape_cast %get3A_124 : vector<1x8x512xf32> to vector<8x512xf32>
    %dot_general3A_126 = arith.constant dense<0.000000e+00> : vector<4096x512xf32>
    %dot_general3A_127 = tpu.matmul %get3A_1, %get3A_125, %dot_general3A_126 {dimension_numbers = #tpu.dot_dimension_numbers<[1], [0], [0], [1], [0, 0, 1, 1], [], []>, transpose_lhs_hint = false} : vector<4096x8xf32>, vector<8x512xf32>, vector<4096x512xf32> -> vector<4096x512xf32>
    %get3A_128 = arith.constant 0 : index
    %get3A_129 = arith.constant 0 : index
    %get3A_130 = arith.constant 1024 : index
    %get3A_131 = vector.load %arg5[%get3A_128, %get3A_129, %get3A_130] : memref<1x1x4096xf32, #tpu.memory_space<vmem>>, vector<1x1x512xf32>
    %get3A_132 = vector.shape_cast %get3A_131 : vector<1x1x512xf32> to vector<1x512xf32>
    %add3A_133 = vector.broadcast %get3A_4 : vector<4096x1xf32> to vector<4096x512xf32>
    %add3A_134 = vector.broadcast %get3A_132 : vector<1x512xf32> to vector<4096x512xf32>
    %add3A_135 = arith.addf %add3A_133, %add3A_134 : vector<4096x512xf32>
    %sub3A_136 = arith.subf %add3A_135, %dot_general3A_127 : vector<4096x512xf32>
    %slice3A_137 = vector.extract_strided_slice %sub3A_136 {offsets = [0, 0], sizes = [4096, 128], strides = [1, 1]} : vector<4096x512xf32> to vector<4096x128xf32>
    %get3A_138 = arith.constant 0 : index
    %get3A_139 = arith.constant 0 : index
    %get3A_140 = arith.constant 1024 : index
    %get3A_141 = vector.load %arg6[%get3A_138, %get3A_139, %get3A_140] : memref<1x1x4096xf32, #tpu.memory_space<vmem>>, vector<1x1x128xf32>
    %get3A_142 = vector.shape_cast %get3A_141 : vector<1x1x128xf32> to vector<1x128xf32>
    %lt3A_143 = arith.cmpf olt, %slice3A_137, %min3A_120 : vector<4096x128xf32>
    %broadcast_in_dim3A_144 = vector.shape_cast %get3A_142 : vector<1x128xf32> to vector<1x128xf32>
    %broadcast_in_dim3A_145 = vector.broadcast %broadcast_in_dim3A_144 : vector<1x128xf32> to vector<4096x128xf32>
    %select_n3A_146 = arith.select %lt3A_143, %broadcast_in_dim3A_145, %select_n3A_119 : vector<4096x128xi1>, vector<4096x128xf32>
    %min3A_147 = arith.minimumf %min3A_120, %slice3A_137 : vector<4096x128xf32>
    %slice3A_148 = vector.extract_strided_slice %sub3A_136 {offsets = [0, 128], sizes = [4096, 128], strides = [1, 1]} : vector<4096x512xf32> to vector<4096x128xf32>
    %get3A_149 = arith.constant 0 : index
    %get3A_150 = arith.constant 0 : index
    %get3A_151 = arith.constant 1152 : index
    %get3A_152 = vector.load %arg6[%get3A_149, %get3A_150, %get3A_151] : memref<1x1x4096xf32, #tpu.memory_space<vmem>>, vector<1x1x128xf32>
    %get3A_153 = vector.shape_cast %get3A_152 : vector<1x1x128xf32> to vector<1x128xf32>
    %lt3A_154 = arith.cmpf olt, %slice3A_148, %min3A_147 : vector<4096x128xf32>
    %broadcast_in_dim3A_155 = vector.shape_cast %get3A_153 : vector<1x128xf32> to vector<1x128xf32>
    %broadcast_in_dim3A_156 = vector.broadcast %broadcast_in_dim3A_155 : vector<1x128xf32> to vector<4096x128xf32>
    %select_n3A_157 = arith.select %lt3A_154, %broadcast_in_dim3A_156, %select_n3A_146 : vector<4096x128xi1>, vector<4096x128xf32>
    %min3A_158 = arith.minimumf %min3A_147, %slice3A_148 : vector<4096x128xf32>
    %slice3A_159 = vector.extract_strided_slice %sub3A_136 {offsets = [0, 256], sizes = [4096, 128], strides = [1, 1]} : vector<4096x512xf32> to vector<4096x128xf32>
    %get3A_160 = arith.constant 0 : index
    %get3A_161 = arith.constant 0 : index
    %get3A_162 = arith.constant 1280 : index
    %get3A_163 = vector.load %arg6[%get3A_160, %get3A_161, %get3A_162] : memref<1x1x4096xf32, #tpu.memory_space<vmem>>, vector<1x1x128xf32>
    %get3A_164 = vector.shape_cast %get3A_163 : vector<1x1x128xf32> to vector<1x128xf32>
    %lt3A_165 = arith.cmpf olt, %slice3A_159, %min3A_158 : vector<4096x128xf32>
    %broadcast_in_dim3A_166 = vector.shape_cast %get3A_164 : vector<1x128xf32> to vector<1x128xf32>
    %broadcast_in_dim3A_167 = vector.broadcast %broadcast_in_dim3A_166 : vector<1x128xf32> to vector<4096x128xf32>
    %select_n3A_168 = arith.select %lt3A_165, %broadcast_in_dim3A_167, %select_n3A_157 : vector<4096x128xi1>, vector<4096x128xf32>
    %min3A_169 = arith.minimumf %min3A_158, %slice3A_159 : vector<4096x128xf32>
    %slice3A_170 = vector.extract_strided_slice %sub3A_136 {offsets = [0, 384], sizes = [4096, 128], strides = [1, 1]} : vector<4096x512xf32> to vector<4096x128xf32>
    %get3A_171 = arith.constant 0 : index
    %get3A_172 = arith.constant 0 : index
    %get3A_173 = arith.constant 1408 : index
    %get3A_174 = vector.load %arg6[%get3A_171, %get3A_172, %get3A_173] : memref<1x1x4096xf32, #tpu.memory_space<vmem>>, vector<1x1x128xf32>
    %get3A_175 = vector.shape_cast %get3A_174 : vector<1x1x128xf32> to vector<1x128xf32>
    %lt3A_176 = arith.cmpf olt, %slice3A_170, %min3A_169 : vector<4096x128xf32>
    %broadcast_in_dim3A_177 = vector.shape_cast %get3A_175 : vector<1x128xf32> to vector<1x128xf32>
    %broadcast_in_dim3A_178 = vector.broadcast %broadcast_in_dim3A_177 : vector<1x128xf32> to vector<4096x128xf32>
    %select_n3A_179 = arith.select %lt3A_176, %broadcast_in_dim3A_178, %select_n3A_168 : vector<4096x128xi1>, vector<4096x128xf32>
    %min3A_180 = arith.minimumf %min3A_169, %slice3A_170 : vector<4096x128xf32>
    %get3A_181 = arith.constant 0 : index
    %get3A_182 = arith.constant 0 : index
    %get3A_183 = arith.constant 1536 : index
    %get3A_184 = vector.load %arg4[%get3A_181, %get3A_182, %get3A_183] : memref<1x8x4096xf32, #tpu.memory_space<vmem>>, vector<1x8x512xf32>
    %get3A_185 = vector.shape_cast %get3A_184 : vector<1x8x512xf32> to vector<8x512xf32>
    %dot_general3A_186 = arith.constant dense<0.000000e+00> : vector<4096x512xf32>
    %dot_general3A_187 = tpu.matmul %get3A_1, %get3A_185, %dot_general3A_186 {dimension_numbers = #tpu.dot_dimension_numbers<[1], [0], [0], [1], [0, 0, 1, 1], [], []>, transpose_lhs_hint = false} : vector<4096x8xf32>, vector<8x512xf32>, vector<4096x512xf32> -> vector<4096x512xf32>
    %get3A_188 = arith.constant 0 : index
    %get3A_189 = arith.constant 0 : index
    %get3A_190 = arith.constant 1536 : index
    %get3A_191 = vector.load %arg5[%get3A_188, %get3A_189, %get3A_190] : memref<1x1x4096xf32, #tpu.memory_space<vmem>>, vector<1x1x512xf32>
    %get3A_192 = vector.shape_cast %get3A_191 : vector<1x1x512xf32> to vector<1x512xf32>
    %add3A_193 = vector.broadcast %get3A_4 : vector<4096x1xf32> to vector<4096x512xf32>
    %add3A_194 = vector.broadcast %get3A_192 : vector<1x512xf32> to vector<4096x512xf32>
    %add3A_195 = arith.addf %add3A_193, %add3A_194 : vector<4096x512xf32>
    %sub3A_196 = arith.subf %add3A_195, %dot_general3A_187 : vector<4096x512xf32>
    %slice3A_197 = vector.extract_strided_slice %sub3A_196 {offsets = [0, 0], sizes = [4096, 128], strides = [1, 1]} : vector<4096x512xf32> to vector<4096x128xf32>
    %get3A_198 = arith.constant 0 : index
    %get3A_199 = arith.constant 0 : index
    %get3A_200 = arith.constant 1536 : index
    %get3A_201 = vector.load %arg6[%get3A_198, %get3A_199, %get3A_200] : memref<1x1x4096xf32, #tpu.memory_space<vmem>>, vector<1x1x128xf32>
    %get3A_202 = vector.shape_cast %get3A_201 : vector<1x1x128xf32> to vector<1x128xf32>
    %lt3A_203 = arith.cmpf olt, %slice3A_197, %min3A_180 : vector<4096x128xf32>
    %broadcast_in_dim3A_204 = vector.shape_cast %get3A_202 : vector<1x128xf32> to vector<1x128xf32>
    %broadcast_in_dim3A_205 = vector.broadcast %broadcast_in_dim3A_204 : vector<1x128xf32> to vector<4096x128xf32>
    %select_n3A_206 = arith.select %lt3A_203, %broadcast_in_dim3A_205, %select_n3A_179 : vector<4096x128xi1>, vector<4096x128xf32>
    %min3A_207 = arith.minimumf %min3A_180, %slice3A_197 : vector<4096x128xf32>
    %slice3A_208 = vector.extract_strided_slice %sub3A_196 {offsets = [0, 128], sizes = [4096, 128], strides = [1, 1]} : vector<4096x512xf32> to vector<4096x128xf32>
    %get3A_209 = arith.constant 0 : index
    %get3A_210 = arith.constant 0 : index
    %get3A_211 = arith.constant 1664 : index
    %get3A_212 = vector.load %arg6[%get3A_209, %get3A_210, %get3A_211] : memref<1x1x4096xf32, #tpu.memory_space<vmem>>, vector<1x1x128xf32>
    %get3A_213 = vector.shape_cast %get3A_212 : vector<1x1x128xf32> to vector<1x128xf32>
    %lt3A_214 = arith.cmpf olt, %slice3A_208, %min3A_207 : vector<4096x128xf32>
    %broadcast_in_dim3A_215 = vector.shape_cast %get3A_213 : vector<1x128xf32> to vector<1x128xf32>
    %broadcast_in_dim3A_216 = vector.broadcast %broadcast_in_dim3A_215 : vector<1x128xf32> to vector<4096x128xf32>
    %select_n3A_217 = arith.select %lt3A_214, %broadcast_in_dim3A_216, %select_n3A_206 : vector<4096x128xi1>, vector<4096x128xf32>
    %min3A_218 = arith.minimumf %min3A_207, %slice3A_208 : vector<4096x128xf32>
    %slice3A_219 = vector.extract_strided_slice %sub3A_196 {offsets = [0, 256], sizes = [4096, 128], strides = [1, 1]} : vector<4096x512xf32> to vector<4096x128xf32>
    %get3A_220 = arith.constant 0 : index
    %get3A_221 = arith.constant 0 : index
    %get3A_222 = arith.constant 1792 : index
    %get3A_223 = vector.load %arg6[%get3A_220, %get3A_221, %get3A_222] : memref<1x1x4096xf32, #tpu.memory_space<vmem>>, vector<1x1x128xf32>
    %get3A_224 = vector.shape_cast %get3A_223 : vector<1x1x128xf32> to vector<1x128xf32>
    %lt3A_225 = arith.cmpf olt, %slice3A_219, %min3A_218 : vector<4096x128xf32>
    %broadcast_in_dim3A_226 = vector.shape_cast %get3A_224 : vector<1x128xf32> to vector<1x128xf32>
    %broadcast_in_dim3A_227 = vector.broadcast %broadcast_in_dim3A_226 : vector<1x128xf32> to vector<4096x128xf32>
    %select_n3A_228 = arith.select %lt3A_225, %broadcast_in_dim3A_227, %select_n3A_217 : vector<4096x128xi1>, vector<4096x128xf32>
    %min3A_229 = arith.minimumf %min3A_218, %slice3A_219 : vector<4096x128xf32>
    %slice3A_230 = vector.extract_strided_slice %sub3A_196 {offsets = [0, 384], sizes = [4096, 128], strides = [1, 1]} : vector<4096x512xf32> to vector<4096x128xf32>
    %get3A_231 = arith.constant 0 : index
    %get3A_232 = arith.constant 0 : index
    %get3A_233 = arith.constant 1920 : index
    %get3A_234 = vector.load %arg6[%get3A_231, %get3A_232, %get3A_233] : memref<1x1x4096xf32, #tpu.memory_space<vmem>>, vector<1x1x128xf32>
    %get3A_235 = vector.shape_cast %get3A_234 : vector<1x1x128xf32> to vector<1x128xf32>
    %lt3A_236 = arith.cmpf olt, %slice3A_230, %min3A_229 : vector<4096x128xf32>
    %broadcast_in_dim3A_237 = vector.shape_cast %get3A_235 : vector<1x128xf32> to vector<1x128xf32>
    %broadcast_in_dim3A_238 = vector.broadcast %broadcast_in_dim3A_237 : vector<1x128xf32> to vector<4096x128xf32>
    %select_n3A_239 = arith.select %lt3A_236, %broadcast_in_dim3A_238, %select_n3A_228 : vector<4096x128xi1>, vector<4096x128xf32>
    %min3A_240 = arith.minimumf %min3A_229, %slice3A_230 : vector<4096x128xf32>
    %get3A_241 = arith.constant 0 : index
    %get3A_242 = arith.constant 0 : index
    %get3A_243 = arith.constant 2048 : index
    %get3A_244 = vector.load %arg4[%get3A_241, %get3A_242, %get3A_243] : memref<1x8x4096xf32, #tpu.memory_space<vmem>>, vector<1x8x512xf32>
    %get3A_245 = vector.shape_cast %get3A_244 : vector<1x8x512xf32> to vector<8x512xf32>
    %dot_general3A_246 = arith.constant dense<0.000000e+00> : vector<4096x512xf32>
    %dot_general3A_247 = tpu.matmul %get3A_1, %get3A_245, %dot_general3A_246 {dimension_numbers = #tpu.dot_dimension_numbers<[1], [0], [0], [1], [0, 0, 1, 1], [], []>, transpose_lhs_hint = false} : vector<4096x8xf32>, vector<8x512xf32>, vector<4096x512xf32> -> vector<4096x512xf32>
    %get3A_248 = arith.constant 0 : index
    %get3A_249 = arith.constant 0 : index
    %get3A_250 = arith.constant 2048 : index
    %get3A_251 = vector.load %arg5[%get3A_248, %get3A_249, %get3A_250] : memref<1x1x4096xf32, #tpu.memory_space<vmem>>, vector<1x1x512xf32>
    %get3A_252 = vector.shape_cast %get3A_251 : vector<1x1x512xf32> to vector<1x512xf32>
    %add3A_253 = vector.broadcast %get3A_4 : vector<4096x1xf32> to vector<4096x512xf32>
    %add3A_254 = vector.broadcast %get3A_252 : vector<1x512xf32> to vector<4096x512xf32>
    %add3A_255 = arith.addf %add3A_253, %add3A_254 : vector<4096x512xf32>
    %sub3A_256 = arith.subf %add3A_255, %dot_general3A_247 : vector<4096x512xf32>
    %slice3A_257 = vector.extract_strided_slice %sub3A_256 {offsets = [0, 0], sizes = [4096, 128], strides = [1, 1]} : vector<4096x512xf32> to vector<4096x128xf32>
    %get3A_258 = arith.constant 0 : index
    %get3A_259 = arith.constant 0 : index
    %get3A_260 = arith.constant 2048 : index
    %get3A_261 = vector.load %arg6[%get3A_258, %get3A_259, %get3A_260] : memref<1x1x4096xf32, #tpu.memory_space<vmem>>, vector<1x1x128xf32>
    %get3A_262 = vector.shape_cast %get3A_261 : vector<1x1x128xf32> to vector<1x128xf32>
    %lt3A_263 = arith.cmpf olt, %slice3A_257, %min3A_240 : vector<4096x128xf32>
    %broadcast_in_dim3A_264 = vector.shape_cast %get3A_262 : vector<1x128xf32> to vector<1x128xf32>
    %broadcast_in_dim3A_265 = vector.broadcast %broadcast_in_dim3A_264 : vector<1x128xf32> to vector<4096x128xf32>
    %select_n3A_266 = arith.select %lt3A_263, %broadcast_in_dim3A_265, %select_n3A_239 : vector<4096x128xi1>, vector<4096x128xf32>
    %min3A_267 = arith.minimumf %min3A_240, %slice3A_257 : vector<4096x128xf32>
    %slice3A_268 = vector.extract_strided_slice %sub3A_256 {offsets = [0, 128], sizes = [4096, 128], strides = [1, 1]} : vector<4096x512xf32> to vector<4096x128xf32>
    %get3A_269 = arith.constant 0 : index
    %get3A_270 = arith.constant 0 : index
    %get3A_271 = arith.constant 2176 : index
    %get3A_272 = vector.load %arg6[%get3A_269, %get3A_270, %get3A_271] : memref<1x1x4096xf32, #tpu.memory_space<vmem>>, vector<1x1x128xf32>
    %get3A_273 = vector.shape_cast %get3A_272 : vector<1x1x128xf32> to vector<1x128xf32>
    %lt3A_274 = arith.cmpf olt, %slice3A_268, %min3A_267 : vector<4096x128xf32>
    %broadcast_in_dim3A_275 = vector.shape_cast %get3A_273 : vector<1x128xf32> to vector<1x128xf32>
    %broadcast_in_dim3A_276 = vector.broadcast %broadcast_in_dim3A_275 : vector<1x128xf32> to vector<4096x128xf32>
    %select_n3A_277 = arith.select %lt3A_274, %broadcast_in_dim3A_276, %select_n3A_266 : vector<4096x128xi1>, vector<4096x128xf32>
    %min3A_278 = arith.minimumf %min3A_267, %slice3A_268 : vector<4096x128xf32>
    %slice3A_279 = vector.extract_strided_slice %sub3A_256 {offsets = [0, 256], sizes = [4096, 128], strides = [1, 1]} : vector<4096x512xf32> to vector<4096x128xf32>
    %get3A_280 = arith.constant 0 : index
    %get3A_281 = arith.constant 0 : index
    %get3A_282 = arith.constant 2304 : index
    %get3A_283 = vector.load %arg6[%get3A_280, %get3A_281, %get3A_282] : memref<1x1x4096xf32, #tpu.memory_space<vmem>>, vector<1x1x128xf32>
    %get3A_284 = vector.shape_cast %get3A_283 : vector<1x1x128xf32> to vector<1x128xf32>
    %lt3A_285 = arith.cmpf olt, %slice3A_279, %min3A_278 : vector<4096x128xf32>
    %broadcast_in_dim3A_286 = vector.shape_cast %get3A_284 : vector<1x128xf32> to vector<1x128xf32>
    %broadcast_in_dim3A_287 = vector.broadcast %broadcast_in_dim3A_286 : vector<1x128xf32> to vector<4096x128xf32>
    %select_n3A_288 = arith.select %lt3A_285, %broadcast_in_dim3A_287, %select_n3A_277 : vector<4096x128xi1>, vector<4096x128xf32>
    %min3A_289 = arith.minimumf %min3A_278, %slice3A_279 : vector<4096x128xf32>
    %slice3A_290 = vector.extract_strided_slice %sub3A_256 {offsets = [0, 384], sizes = [4096, 128], strides = [1, 1]} : vector<4096x512xf32> to vector<4096x128xf32>
    %get3A_291 = arith.constant 0 : index
    %get3A_292 = arith.constant 0 : index
    %get3A_293 = arith.constant 2432 : index
    %get3A_294 = vector.load %arg6[%get3A_291, %get3A_292, %get3A_293] : memref<1x1x4096xf32, #tpu.memory_space<vmem>>, vector<1x1x128xf32>
    %get3A_295 = vector.shape_cast %get3A_294 : vector<1x1x128xf32> to vector<1x128xf32>
    %lt3A_296 = arith.cmpf olt, %slice3A_290, %min3A_289 : vector<4096x128xf32>
    %broadcast_in_dim3A_297 = vector.shape_cast %get3A_295 : vector<1x128xf32> to vector<1x128xf32>
    %broadcast_in_dim3A_298 = vector.broadcast %broadcast_in_dim3A_297 : vector<1x128xf32> to vector<4096x128xf32>
    %select_n3A_299 = arith.select %lt3A_296, %broadcast_in_dim3A_298, %select_n3A_288 : vector<4096x128xi1>, vector<4096x128xf32>
    %min3A_300 = arith.minimumf %min3A_289, %slice3A_290 : vector<4096x128xf32>
    %get3A_301 = arith.constant 0 : index
    %get3A_302 = arith.constant 0 : index
    %get3A_303 = arith.constant 2560 : index
    %get3A_304 = vector.load %arg4[%get3A_301, %get3A_302, %get3A_303] : memref<1x8x4096xf32, #tpu.memory_space<vmem>>, vector<1x8x512xf32>
    %get3A_305 = vector.shape_cast %get3A_304 : vector<1x8x512xf32> to vector<8x512xf32>
    %dot_general3A_306 = arith.constant dense<0.000000e+00> : vector<4096x512xf32>
    %dot_general3A_307 = tpu.matmul %get3A_1, %get3A_305, %dot_general3A_306 {dimension_numbers = #tpu.dot_dimension_numbers<[1], [0], [0], [1], [0, 0, 1, 1], [], []>, transpose_lhs_hint = false} : vector<4096x8xf32>, vector<8x512xf32>, vector<4096x512xf32> -> vector<4096x512xf32>
    %get3A_308 = arith.constant 0 : index
    %get3A_309 = arith.constant 0 : index
    %get3A_310 = arith.constant 2560 : index
    %get3A_311 = vector.load %arg5[%get3A_308, %get3A_309, %get3A_310] : memref<1x1x4096xf32, #tpu.memory_space<vmem>>, vector<1x1x512xf32>
    %get3A_312 = vector.shape_cast %get3A_311 : vector<1x1x512xf32> to vector<1x512xf32>
    %add3A_313 = vector.broadcast %get3A_4 : vector<4096x1xf32> to vector<4096x512xf32>
    %add3A_314 = vector.broadcast %get3A_312 : vector<1x512xf32> to vector<4096x512xf32>
    %add3A_315 = arith.addf %add3A_313, %add3A_314 : vector<4096x512xf32>
    %sub3A_316 = arith.subf %add3A_315, %dot_general3A_307 : vector<4096x512xf32>
    %slice3A_317 = vector.extract_strided_slice %sub3A_316 {offsets = [0, 0], sizes = [4096, 128], strides = [1, 1]} : vector<4096x512xf32> to vector<4096x128xf32>
    %get3A_318 = arith.constant 0 : index
    %get3A_319 = arith.constant 0 : index
    %get3A_320 = arith.constant 2560 : index
    %get3A_321 = vector.load %arg6[%get3A_318, %get3A_319, %get3A_320] : memref<1x1x4096xf32, #tpu.memory_space<vmem>>, vector<1x1x128xf32>
    %get3A_322 = vector.shape_cast %get3A_321 : vector<1x1x128xf32> to vector<1x128xf32>
    %lt3A_323 = arith.cmpf olt, %slice3A_317, %min3A_300 : vector<4096x128xf32>
    %broadcast_in_dim3A_324 = vector.shape_cast %get3A_322 : vector<1x128xf32> to vector<1x128xf32>
    %broadcast_in_dim3A_325 = vector.broadcast %broadcast_in_dim3A_324 : vector<1x128xf32> to vector<4096x128xf32>
    %select_n3A_326 = arith.select %lt3A_323, %broadcast_in_dim3A_325, %select_n3A_299 : vector<4096x128xi1>, vector<4096x128xf32>
    %min3A_327 = arith.minimumf %min3A_300, %slice3A_317 : vector<4096x128xf32>
    %slice3A_328 = vector.extract_strided_slice %sub3A_316 {offsets = [0, 128], sizes = [4096, 128], strides = [1, 1]} : vector<4096x512xf32> to vector<4096x128xf32>
    %get3A_329 = arith.constant 0 : index
    %get3A_330 = arith.constant 0 : index
    %get3A_331 = arith.constant 2688 : index
    %get3A_332 = vector.load %arg6[%get3A_329, %get3A_330, %get3A_331] : memref<1x1x4096xf32, #tpu.memory_space<vmem>>, vector<1x1x128xf32>
    %get3A_333 = vector.shape_cast %get3A_332 : vector<1x1x128xf32> to vector<1x128xf32>
    %lt3A_334 = arith.cmpf olt, %slice3A_328, %min3A_327 : vector<4096x128xf32>
    %broadcast_in_dim3A_335 = vector.shape_cast %get3A_333 : vector<1x128xf32> to vector<1x128xf32>
    %broadcast_in_dim3A_336 = vector.broadcast %broadcast_in_dim3A_335 : vector<1x128xf32> to vector<4096x128xf32>
    %select_n3A_337 = arith.select %lt3A_334, %broadcast_in_dim3A_336, %select_n3A_326 : vector<4096x128xi1>, vector<4096x128xf32>
    %min3A_338 = arith.minimumf %min3A_327, %slice3A_328 : vector<4096x128xf32>
    %slice3A_339 = vector.extract_strided_slice %sub3A_316 {offsets = [0, 256], sizes = [4096, 128], strides = [1, 1]} : vector<4096x512xf32> to vector<4096x128xf32>
    %get3A_340 = arith.constant 0 : index
    %get3A_341 = arith.constant 0 : index
    %get3A_342 = arith.constant 2816 : index
    %get3A_343 = vector.load %arg6[%get3A_340, %get3A_341, %get3A_342] : memref<1x1x4096xf32, #tpu.memory_space<vmem>>, vector<1x1x128xf32>
    %get3A_344 = vector.shape_cast %get3A_343 : vector<1x1x128xf32> to vector<1x128xf32>
    %lt3A_345 = arith.cmpf olt, %slice3A_339, %min3A_338 : vector<4096x128xf32>
    %broadcast_in_dim3A_346 = vector.shape_cast %get3A_344 : vector<1x128xf32> to vector<1x128xf32>
    %broadcast_in_dim3A_347 = vector.broadcast %broadcast_in_dim3A_346 : vector<1x128xf32> to vector<4096x128xf32>
    %select_n3A_348 = arith.select %lt3A_345, %broadcast_in_dim3A_347, %select_n3A_337 : vector<4096x128xi1>, vector<4096x128xf32>
    %min3A_349 = arith.minimumf %min3A_338, %slice3A_339 : vector<4096x128xf32>
    %slice3A_350 = vector.extract_strided_slice %sub3A_316 {offsets = [0, 384], sizes = [4096, 128], strides = [1, 1]} : vector<4096x512xf32> to vector<4096x128xf32>
    %get3A_351 = arith.constant 0 : index
    %get3A_352 = arith.constant 0 : index
    %get3A_353 = arith.constant 2944 : index
    %get3A_354 = vector.load %arg6[%get3A_351, %get3A_352, %get3A_353] : memref<1x1x4096xf32, #tpu.memory_space<vmem>>, vector<1x1x128xf32>
    %get3A_355 = vector.shape_cast %get3A_354 : vector<1x1x128xf32> to vector<1x128xf32>
    %lt3A_356 = arith.cmpf olt, %slice3A_350, %min3A_349 : vector<4096x128xf32>
    %broadcast_in_dim3A_357 = vector.shape_cast %get3A_355 : vector<1x128xf32> to vector<1x128xf32>
    %broadcast_in_dim3A_358 = vector.broadcast %broadcast_in_dim3A_357 : vector<1x128xf32> to vector<4096x128xf32>
    %select_n3A_359 = arith.select %lt3A_356, %broadcast_in_dim3A_358, %select_n3A_348 : vector<4096x128xi1>, vector<4096x128xf32>
    %min3A_360 = arith.minimumf %min3A_349, %slice3A_350 : vector<4096x128xf32>
    %get3A_361 = arith.constant 0 : index
    %get3A_362 = arith.constant 0 : index
    %get3A_363 = arith.constant 3072 : index
    %get3A_364 = vector.load %arg4[%get3A_361, %get3A_362, %get3A_363] : memref<1x8x4096xf32, #tpu.memory_space<vmem>>, vector<1x8x512xf32>
    %get3A_365 = vector.shape_cast %get3A_364 : vector<1x8x512xf32> to vector<8x512xf32>
    %dot_general3A_366 = arith.constant dense<0.000000e+00> : vector<4096x512xf32>
    %dot_general3A_367 = tpu.matmul %get3A_1, %get3A_365, %dot_general3A_366 {dimension_numbers = #tpu.dot_dimension_numbers<[1], [0], [0], [1], [0, 0, 1, 1], [], []>, transpose_lhs_hint = false} : vector<4096x8xf32>, vector<8x512xf32>, vector<4096x512xf32> -> vector<4096x512xf32>
    %get3A_368 = arith.constant 0 : index
    %get3A_369 = arith.constant 0 : index
    %get3A_370 = arith.constant 3072 : index
    %get3A_371 = vector.load %arg5[%get3A_368, %get3A_369, %get3A_370] : memref<1x1x4096xf32, #tpu.memory_space<vmem>>, vector<1x1x512xf32>
    %get3A_372 = vector.shape_cast %get3A_371 : vector<1x1x512xf32> to vector<1x512xf32>
    %add3A_373 = vector.broadcast %get3A_4 : vector<4096x1xf32> to vector<4096x512xf32>
    %add3A_374 = vector.broadcast %get3A_372 : vector<1x512xf32> to vector<4096x512xf32>
    %add3A_375 = arith.addf %add3A_373, %add3A_374 : vector<4096x512xf32>
    %sub3A_376 = arith.subf %add3A_375, %dot_general3A_367 : vector<4096x512xf32>
    %slice3A_377 = vector.extract_strided_slice %sub3A_376 {offsets = [0, 0], sizes = [4096, 128], strides = [1, 1]} : vector<4096x512xf32> to vector<4096x128xf32>
    %get3A_378 = arith.constant 0 : index
    %get3A_379 = arith.constant 0 : index
    %get3A_380 = arith.constant 3072 : index
    %get3A_381 = vector.load %arg6[%get3A_378, %get3A_379, %get3A_380] : memref<1x1x4096xf32, #tpu.memory_space<vmem>>, vector<1x1x128xf32>
    %get3A_382 = vector.shape_cast %get3A_381 : vector<1x1x128xf32> to vector<1x128xf32>
    %lt3A_383 = arith.cmpf olt, %slice3A_377, %min3A_360 : vector<4096x128xf32>
    %broadcast_in_dim3A_384 = vector.shape_cast %get3A_382 : vector<1x128xf32> to vector<1x128xf32>
    %broadcast_in_dim3A_385 = vector.broadcast %broadcast_in_dim3A_384 : vector<1x128xf32> to vector<4096x128xf32>
    %select_n3A_386 = arith.select %lt3A_383, %broadcast_in_dim3A_385, %select_n3A_359 : vector<4096x128xi1>, vector<4096x128xf32>
    %min3A_387 = arith.minimumf %min3A_360, %slice3A_377 : vector<4096x128xf32>
    %slice3A_388 = vector.extract_strided_slice %sub3A_376 {offsets = [0, 128], sizes = [4096, 128], strides = [1, 1]} : vector<4096x512xf32> to vector<4096x128xf32>
    %get3A_389 = arith.constant 0 : index
    %get3A_390 = arith.constant 0 : index
    %get3A_391 = arith.constant 3200 : index
    %get3A_392 = vector.load %arg6[%get3A_389, %get3A_390, %get3A_391] : memref<1x1x4096xf32, #tpu.memory_space<vmem>>, vector<1x1x128xf32>
    %get3A_393 = vector.shape_cast %get3A_392 : vector<1x1x128xf32> to vector<1x128xf32>
    %lt3A_394 = arith.cmpf olt, %slice3A_388, %min3A_387 : vector<4096x128xf32>
    %broadcast_in_dim3A_395 = vector.shape_cast %get3A_393 : vector<1x128xf32> to vector<1x128xf32>
    %broadcast_in_dim3A_396 = vector.broadcast %broadcast_in_dim3A_395 : vector<1x128xf32> to vector<4096x128xf32>
    %select_n3A_397 = arith.select %lt3A_394, %broadcast_in_dim3A_396, %select_n3A_386 : vector<4096x128xi1>, vector<4096x128xf32>
    %min3A_398 = arith.minimumf %min3A_387, %slice3A_388 : vector<4096x128xf32>
    %slice3A_399 = vector.extract_strided_slice %sub3A_376 {offsets = [0, 256], sizes = [4096, 128], strides = [1, 1]} : vector<4096x512xf32> to vector<4096x128xf32>
    %get3A_400 = arith.constant 0 : index
    %get3A_401 = arith.constant 0 : index
    %get3A_402 = arith.constant 3328 : index
    %get3A_403 = vector.load %arg6[%get3A_400, %get3A_401, %get3A_402] : memref<1x1x4096xf32, #tpu.memory_space<vmem>>, vector<1x1x128xf32>
    %get3A_404 = vector.shape_cast %get3A_403 : vector<1x1x128xf32> to vector<1x128xf32>
    %lt3A_405 = arith.cmpf olt, %slice3A_399, %min3A_398 : vector<4096x128xf32>
    %broadcast_in_dim3A_406 = vector.shape_cast %get3A_404 : vector<1x128xf32> to vector<1x128xf32>
    %broadcast_in_dim3A_407 = vector.broadcast %broadcast_in_dim3A_406 : vector<1x128xf32> to vector<4096x128xf32>
    %select_n3A_408 = arith.select %lt3A_405, %broadcast_in_dim3A_407, %select_n3A_397 : vector<4096x128xi1>, vector<4096x128xf32>
    %min3A_409 = arith.minimumf %min3A_398, %slice3A_399 : vector<4096x128xf32>
    %slice3A_410 = vector.extract_strided_slice %sub3A_376 {offsets = [0, 384], sizes = [4096, 128], strides = [1, 1]} : vector<4096x512xf32> to vector<4096x128xf32>
    %get3A_411 = arith.constant 0 : index
    %get3A_412 = arith.constant 0 : index
    %get3A_413 = arith.constant 3456 : index
    %get3A_414 = vector.load %arg6[%get3A_411, %get3A_412, %get3A_413] : memref<1x1x4096xf32, #tpu.memory_space<vmem>>, vector<1x1x128xf32>
    %get3A_415 = vector.shape_cast %get3A_414 : vector<1x1x128xf32> to vector<1x128xf32>
    %lt3A_416 = arith.cmpf olt, %slice3A_410, %min3A_409 : vector<4096x128xf32>
    %broadcast_in_dim3A_417 = vector.shape_cast %get3A_415 : vector<1x128xf32> to vector<1x128xf32>
    %broadcast_in_dim3A_418 = vector.broadcast %broadcast_in_dim3A_417 : vector<1x128xf32> to vector<4096x128xf32>
    %select_n3A_419 = arith.select %lt3A_416, %broadcast_in_dim3A_418, %select_n3A_408 : vector<4096x128xi1>, vector<4096x128xf32>
    %min3A_420 = arith.minimumf %min3A_409, %slice3A_410 : vector<4096x128xf32>
    %get3A_421 = arith.constant 0 : index
    %get3A_422 = arith.constant 0 : index
    %get3A_423 = arith.constant 3584 : index
    %get3A_424 = vector.load %arg4[%get3A_421, %get3A_422, %get3A_423] : memref<1x8x4096xf32, #tpu.memory_space<vmem>>, vector<1x8x512xf32>
    %get3A_425 = vector.shape_cast %get3A_424 : vector<1x8x512xf32> to vector<8x512xf32>
    %dot_general3A_426 = arith.constant dense<0.000000e+00> : vector<4096x512xf32>
    %dot_general3A_427 = tpu.matmul %get3A_1, %get3A_425, %dot_general3A_426 {dimension_numbers = #tpu.dot_dimension_numbers<[1], [0], [0], [1], [0, 0, 1, 1], [], []>, transpose_lhs_hint = false} : vector<4096x8xf32>, vector<8x512xf32>, vector<4096x512xf32> -> vector<4096x512xf32>
    %get3A_428 = arith.constant 0 : index
    %get3A_429 = arith.constant 0 : index
    %get3A_430 = arith.constant 3584 : index
    %get3A_431 = vector.load %arg5[%get3A_428, %get3A_429, %get3A_430] : memref<1x1x4096xf32, #tpu.memory_space<vmem>>, vector<1x1x512xf32>
    %get3A_432 = vector.shape_cast %get3A_431 : vector<1x1x512xf32> to vector<1x512xf32>
    %add3A_433 = vector.broadcast %get3A_4 : vector<4096x1xf32> to vector<4096x512xf32>
    %add3A_434 = vector.broadcast %get3A_432 : vector<1x512xf32> to vector<4096x512xf32>
    %add3A_435 = arith.addf %add3A_433, %add3A_434 : vector<4096x512xf32>
    %sub3A_436 = arith.subf %add3A_435, %dot_general3A_427 : vector<4096x512xf32>
    %slice3A_437 = vector.extract_strided_slice %sub3A_436 {offsets = [0, 0], sizes = [4096, 128], strides = [1, 1]} : vector<4096x512xf32> to vector<4096x128xf32>
    %get3A_438 = arith.constant 0 : index
    %get3A_439 = arith.constant 0 : index
    %get3A_440 = arith.constant 3584 : index
    %get3A_441 = vector.load %arg6[%get3A_438, %get3A_439, %get3A_440] : memref<1x1x4096xf32, #tpu.memory_space<vmem>>, vector<1x1x128xf32>
    %get3A_442 = vector.shape_cast %get3A_441 : vector<1x1x128xf32> to vector<1x128xf32>
    %lt3A_443 = arith.cmpf olt, %slice3A_437, %min3A_420 : vector<4096x128xf32>
    %broadcast_in_dim3A_444 = vector.shape_cast %get3A_442 : vector<1x128xf32> to vector<1x128xf32>
    %broadcast_in_dim3A_445 = vector.broadcast %broadcast_in_dim3A_444 : vector<1x128xf32> to vector<4096x128xf32>
    %select_n3A_446 = arith.select %lt3A_443, %broadcast_in_dim3A_445, %select_n3A_419 : vector<4096x128xi1>, vector<4096x128xf32>
    %min3A_447 = arith.minimumf %min3A_420, %slice3A_437 : vector<4096x128xf32>
    %slice3A_448 = vector.extract_strided_slice %sub3A_436 {offsets = [0, 128], sizes = [4096, 128], strides = [1, 1]} : vector<4096x512xf32> to vector<4096x128xf32>
    %get3A_449 = arith.constant 0 : index
    %get3A_450 = arith.constant 0 : index
    %get3A_451 = arith.constant 3712 : index
    %get3A_452 = vector.load %arg6[%get3A_449, %get3A_450, %get3A_451] : memref<1x1x4096xf32, #tpu.memory_space<vmem>>, vector<1x1x128xf32>
    %get3A_453 = vector.shape_cast %get3A_452 : vector<1x1x128xf32> to vector<1x128xf32>
    %lt3A_454 = arith.cmpf olt, %slice3A_448, %min3A_447 : vector<4096x128xf32>
    %broadcast_in_dim3A_455 = vector.shape_cast %get3A_453 : vector<1x128xf32> to vector<1x128xf32>
    %broadcast_in_dim3A_456 = vector.broadcast %broadcast_in_dim3A_455 : vector<1x128xf32> to vector<4096x128xf32>
    %select_n3A_457 = arith.select %lt3A_454, %broadcast_in_dim3A_456, %select_n3A_446 : vector<4096x128xi1>, vector<4096x128xf32>
    %min3A_458 = arith.minimumf %min3A_447, %slice3A_448 : vector<4096x128xf32>
    %slice3A_459 = vector.extract_strided_slice %sub3A_436 {offsets = [0, 256], sizes = [4096, 128], strides = [1, 1]} : vector<4096x512xf32> to vector<4096x128xf32>
    %get3A_460 = arith.constant 0 : index
    %get3A_461 = arith.constant 0 : index
    %get3A_462 = arith.constant 3840 : index
    %get3A_463 = vector.load %arg6[%get3A_460, %get3A_461, %get3A_462] : memref<1x1x4096xf32, #tpu.memory_space<vmem>>, vector<1x1x128xf32>
    %get3A_464 = vector.shape_cast %get3A_463 : vector<1x1x128xf32> to vector<1x128xf32>
    %lt3A_465 = arith.cmpf olt, %slice3A_459, %min3A_458 : vector<4096x128xf32>
    %broadcast_in_dim3A_466 = vector.shape_cast %get3A_464 : vector<1x128xf32> to vector<1x128xf32>
    %broadcast_in_dim3A_467 = vector.broadcast %broadcast_in_dim3A_466 : vector<1x128xf32> to vector<4096x128xf32>
    %select_n3A_468 = arith.select %lt3A_465, %broadcast_in_dim3A_467, %select_n3A_457 : vector<4096x128xi1>, vector<4096x128xf32>
    %min3A_469 = arith.minimumf %min3A_458, %slice3A_459 : vector<4096x128xf32>
    %slice3A_470 = vector.extract_strided_slice %sub3A_436 {offsets = [0, 384], sizes = [4096, 128], strides = [1, 1]} : vector<4096x512xf32> to vector<4096x128xf32>
    %get3A_471 = arith.constant 0 : index
    %get3A_472 = arith.constant 0 : index
    %get3A_473 = arith.constant 3968 : index
    %get3A_474 = vector.load %arg6[%get3A_471, %get3A_472, %get3A_473] : memref<1x1x4096xf32, #tpu.memory_space<vmem>>, vector<1x1x128xf32>
    %get3A_475 = vector.shape_cast %get3A_474 : vector<1x1x128xf32> to vector<1x128xf32>
    %lt3A_476 = arith.cmpf olt, %slice3A_470, %min3A_469 : vector<4096x128xf32>
    %broadcast_in_dim3A_477 = vector.shape_cast %get3A_475 : vector<1x128xf32> to vector<1x128xf32>
    %broadcast_in_dim3A_478 = vector.broadcast %broadcast_in_dim3A_477 : vector<1x128xf32> to vector<4096x128xf32>
    %select_n3A_479 = arith.select %lt3A_476, %broadcast_in_dim3A_478, %select_n3A_468 : vector<4096x128xi1>, vector<4096x128xf32>
    %min3A_480 = arith.minimumf %min3A_469, %slice3A_470 : vector<4096x128xf32>
    %reduce_min3A = arith.constant dense<0x7F800000> : vector<4096xf32>
    %reduce_min3A_481 = vector.multi_reduction <minimumf>, %min3A_480, %reduce_min3A [1] : vector<4096x128xf32> to vector<4096xf32>
    %broadcast_in_dim3A_482 = vector.shape_cast %reduce_min3A_481 : vector<4096xf32> to vector<4096x1xf32>
    %eq3A = vector.broadcast %broadcast_in_dim3A_482 : vector<4096x1xf32> to vector<4096x128xf32>
    %eq3A_483 = arith.cmpf oeq, %min3A_480, %eq3A : vector<4096x128xf32>
    %jit3A = arith.constant 4.096000e+03 : f32
    %broadcast_in_dim3A_484 = vector.broadcast %jit3A : f32 to vector<4096x128xf32>
    %select_n3A_485 = arith.select %eq3A_483, %select_n3A_479, %broadcast_in_dim3A_484 : vector<4096x128xi1>, vector<4096x128xf32>
    %reduce_min3A_486 = arith.constant dense<0x7F800000> : vector<4096xf32>
    %reduce_min3A_487 = vector.multi_reduction <minimumf>, %select_n3A_485, %reduce_min3A_486 [1] : vector<4096x128xf32> to vector<4096xf32>
    %broadcast_in_dim3A_488 = vector.shape_cast %reduce_min3A_487 : vector<4096xf32> to vector<4096x1xf32>
    %convert_element_type3A = arith.fptosi %broadcast_in_dim3A_488 : vector<4096x1xf32> to vector<4096x1xi32>
    %reshape3A = vector.shape_cast %convert_element_type3A : vector<4096x1xi32> to vector<1x4096xi32>
    %swap3A = arith.constant 0 : index
    %swap3A_489 = arith.constant 0 : index
    %swap3A_490 = arith.constant 0 : index
    %swap3A_491 = vector.load %arg7[%swap3A, %swap3A_489, %swap3A_490] : memref<1x1x4096xi32, #tpu.memory_space<vmem>>, vector<1x1x4096xi32>
    %swap3A_492 = vector.shape_cast %swap3A_491 : vector<1x1x4096xi32> to vector<1x4096xi32>
    %swap3A_493 = vector.shape_cast %reshape3A : vector<1x4096xi32> to vector<1x1x4096xi32>
    tpu.vector_store %arg7[%swap3A, %swap3A_489, %swap3A_490], %swap3A_493 {strides = array<i32>} : memref<1x1x4096xi32, #tpu.memory_space<vmem>>, vector<1x1x4096xi32>,
    return
  }
  func.func @transform_0(%arg0: i32, %arg1: i32) -> (i32, i32) {
    %c0_i32 = arith.constant 0 : i32
    %c0_i32_0 = arith.constant 0 : i32
    return %arg1, %c0_i32 : i32, i32
  }
  func.func @transform_1(%arg0: i32, %arg1: i32) -> (i32, i32) {
    %c0_i32 = arith.constant 0 : i32
    %c0_i32_0 = arith.constant 0 : i32
    return %arg1, %c0_i32 : i32, i32
  }
  func.func @transform_2(%arg0: i32, %arg1: i32) -> (i32, i32, i32) {
    %c0_i32 = arith.constant 0 : i32
    %c0_i32_0 = arith.constant 0 : i32
    %c0_i32_1 = arith.constant 0 : i32
    return %arg0, %c0_i32, %c0_i32_0 : i32, i32, i32
  }
  func.func @transform_3(%arg0: i32, %arg1: i32) -> (i32, i32, i32) {
    %c0_i32 = arith.constant 0 : i32
    %c0_i32_0 = arith.constant 0 : i32
    %c0_i32_1 = arith.constant 0 : i32
    return %arg0, %c0_i32, %c0_i32_0 : i32, i32, i32
  }
  func.func @transform_4(%arg0: i32, %arg1: i32) -> (i32, i32, i32) {
    %c0_i32 = arith.constant 0 : i32
    %c0_i32_0 = arith.constant 0 : i32
    %c0_i32_1 = arith.constant 0 : i32
    %c0_i32_2 = arith.constant 0 : i32
    return %c0_i32, %c0_i32_0, %c0_i32_1 : i32, i32, i32
  }
  func.func @transform_5(%arg0: i32, %arg1: i32) -> (i32, i32, i32) {
    %mul3A = arith.constant 1 : i32
    %mul3A_0 = arith.muli %arg0, %mul3A : i32
    %add3A = arith.addi %mul3A_0, %arg1 : i32
    %c0_i32 = arith.constant 0 : i32
    %c0_i32_1 = arith.constant 0 : i32
    %c0_i32_2 = arith.constant 0 : i32
    return %add3A, %c0_i32, %c0_i32_1 : i32, i32, i32
  }
}

</mosaic_0001>

<sc_bundles>
// kernel: kernel.4.cloned.1.call-start
scs
__scs_entry_jumppad:
0x0: {  	(pc) =	sbr.rel $0x88, $3  }
0x1: {  	(tag) =	ssettag $0x0;
	lr =	simm.s32 $0x1  }
0x2: {  	[smem:$0x3F9F] =	sst lr;
	_ =	strace $0xD0000000  }
0x3: {  	_ = 	snop  }
0x4: {  	_ = 	snop  }
0x5: {  	_ = 	snop  }
0x6: {  	_ = 	snop  }
0x7: {  	_ = 	snop  }
__scs_overlays_trampoline_lowered:
0x8: {  	[smem:$0x3FAE] =	sst s0  }
0x9: {  	[smem:$0x3FAF] =	sst s1  }
0xa: {  	[smem:$0x3FB0] =	sst s2  }
0xb: {  	[smem:$0x3FB1] =	sst s3  }
0xc: {  	[smem:$0x3FB2] =	sst s4  }
0xd: {  	[smem:$0x3FB3] =	sst s5  }
0xe: {  	[smem:$0x3FB4] =	sst s6  }
0xf: {  	[smem:$0x3FB5] =	sst s7  }
0x10: {  	[smem:$0x3FB6] =	sst s8  }
0x11: {  	[smem:$0x3FB7] =	sst s9;
	s0 =	simm.s32 @!p0 $0x0  }
0x12: {  	s1 =	sld [smem:$0x3F9D];
	s0 =	simm.s32 @p0 $0x1  }
0x13: {  	[smem:$0x3FB8] =	sst s0;
	s0 =	simm.s32 @!p1 $0x0  }
0x14: {  	s2 =	sld [smem:$0x3F9C];
	s0 =	simm.s32 @p1 $0x1  }
0x15: {  	[smem:$0x3FB9] =	sst s0;
	s0 =	simm.s32 @!p2 $0x0  }
0x16: {  	s3 =	sld [smem:$0x3FDB];
	s0 =	simm.s32 @p2 $0x1  }
0x17: {  	s4 =	simm.s32 $0x1BF5;
	[smem:$0x3FBB] =	sst s0  }
0x18: {  	s0 =	sld [smem:$0x3F9E];
	_ =	swait.ge [sflag:s4], $0x0  }
0x19: {  	s7 =	sld [smem:$0x3F9F]  }
0x1a: {  	s8 =	sadd.s32 $0xFFFFE003, lr  }
0x1b: {  	s9 =	sadd.s32 $0xFFFFFEF7, lr;
	s5 =	simm.s32 $0xFFFFFFFF;
	p2 =	slt.u32 s8, $0xFFFFF086  }
0x1c: {  	p1 =	slt.u32 s9, $0xF7A;
	s5 =	simm.s32 @!p2 $0x0  }
0x1d: {  	s5 =	simm.s32 @p1 $0x1;
	p0 =	seq.s32 s7, s2  }
0x1e: {  	s7 =	smul.u32 @!p0 $0xF7A, s2;
	p2 =	seq.s32 @!p0 s5, $0x0  }
0x1f: {  	s9 =	smul.u32 $0xF7A, s1;
	s8 =	simm.s32 @!p0 $0x1BF5;
	p2 =	por !p2, p0  }
0x20: {  	[sflag:s8] =	ssyncset.s32 @!p0 $0xFFFFF086;
	s6 =	sadd.s32 @!p0 s3, s7;
	s7 =	simm.s32 @!p0 $0x108  }
0x21: {  	s3 =	sadd.s32 s3, s9;
	s6 =	sadd.s32 @!p0 $0x88, s6;
	s7 =	simm.s32 @p2 $0x1082  }
0x22: {  	[simem:s7], [sflag:s8] =	dma.local @!p0 [hbm:s6], $0xF7A  }
0x23: {  	s9 =	sor.u32 $0xD0000000, s2;
	s6 =	simm.s32 $0x108;
	_ =	swait.ge @!p0 [sflag:s8], $0x0  }
0x24: {  	s3 =	sadd.s32 $0x88, s3;
	s6 =	simm.s32 @!p1 $0x1082;
	[sflag:s4] =	ssyncset.s32 $0xFFFFF086  }
0x25: {  	[simem:s6], [sflag:s4] =	dma.local [hbm:s3], $0xF7A  }
0x26: {  	[smem:$0x3F9F] =	sst s1;
	(tag) =	ssettag s2;
	_ =	strace s9  }
0x27: {  	s1 =	sld [smem:$0x3FAF]  }
0x28: {  	s2 =	sld [smem:$0x3FB0]  }
0x29: {  	s4 =	sld [smem:$0x3FB2]  }
0x2a: {  	p0 =	seq.s32 s5, $0x0;
	s5 =	sld [smem:$0x3FB3]  }
0x2b: {  	s6 =	sld [smem:$0x3FB4]  }
0x2c: {  	s7 =	sld [smem:$0x3FB5]  }
0x2d: {  	s3 =	simm.s32 $0x108;
	s8 =	sld [smem:$0x3FB6]  }
0x2e: {  	s3 =	simm.s32 @!p0 $0x1082;
	s9 =	sld [smem:$0x3FB7]  }
0x2f: {  	lr =	sadd.s32 s0, s3;
	s0 =	sld [smem:$0x3FAE]  }
0x30: {  	s3 =	sld [smem:$0x3FB1]  }
0x31: {  	[smem:$0x3FBA] =	sst s10  }
0x32: {  	s10 =	sld [smem:$0x3FB8];
	_ =	sdelay $0x3  }
0x33: {  	p0 =	seq.s32 s10, $0x1;
	s10 =	sld [smem:$0x3FBA];
	_ =	sdelay $0x3  }
0x34: {  	[smem:$0x3FBA] =	sst s10  }
0x35: {  	s10 =	sld [smem:$0x3FB9];
	_ =	sdelay $0x3  }
0x36: {  	p1 =	seq.s32 s10, $0x1;
	s10 =	sld [smem:$0x3FBA];
	_ =	sdelay $0x3  }
0x37: {  	[smem:$0x3FBA] =	sst s10  }
0x38: {  	s10 =	sld [smem:$0x3FBB]  }
0x39: {  	_ = 	snop;
	(pc) =	sbr.ind lr, $3  }
0x3a: {  	_ = 	snop  }
0x3b: {  	_ = 	snop  }
0x3c: {  	p2 =	seq.s32 s10, $0x1;
	s10 =	sld [smem:$0x3FBA]  }
0x3d: {  	_ =	shalt  }
0x3e: {  	_ =	shalt  }
0x3f: {  	_ =	shalt  }
0x40: {  	_ =	shalt  }
0x41: {  	_ =	shalt  }
0x42: {  	_ =	shalt  }
0x43: {  	_ =	shalt  }
0x44: {  	_ =	shalt  }
0x45: {  	_ =	shalt  }
0x46: {  	_ =	shalt  }
0x47: {  	_ =	shalt  }
0x48: {  	_ =	shalt  }
0x49: {  	_ =	shalt  }
0x4a: {  	_ =	shalt  }
0x4b: {  	_ =	shalt  }
0x4c: {  	_ =	shalt  }
0x4d: {  	_ =	shalt  }
0x4e: {  	_ =	shalt  }
0x4f: {  	_ =	shalt  }
0x50: {  	_ =	shalt  }
0x51: {  	_ =	shalt  }
0x52: {  	_ =	shalt  }
0x53: {  	_ =	shalt  }
0x54: {  	_ =	shalt  }
0x55: {  	_ =	shalt  }
0x56: {  	_ =	shalt  }
0x57: {  	_ =	shalt  }
0x58: {  	_ =	shalt  }
0x59: {  	_ =	shalt  }
0x5a: {  	_ =	shalt  }
0x5b: {  	_ =	shalt  }
0x5c: {  	_ =	shalt  }
0x5d: {  	_ =	shalt  }
0x5e: {  	_ =	shalt  }
0x5f: {  	_ =	shalt  }
0x60: {  	_ =	shalt  }
0x61: {  	_ =	shalt  }
0x62: {  	_ =	shalt  }
0x63: {  	_ =	shalt  }
0x64: {  	_ =	shalt  }
0x65: {  	_ =	shalt  }
0x66: {  	_ =	shalt  }
0x67: {  	_ =	shalt  }
0x68: {  	_ =	shalt  }
0x69: {  	_ =	shalt  }
0x6a: {  	_ =	shalt  }
0x6b: {  	_ =	shalt  }
0x6c: {  	_ =	shalt  }
0x6d: {  	_ =	shalt  }
0x6e: {  	_ =	shalt  }
0x6f: {  	_ =	shalt  }
0x70: {  	_ =	shalt  }
0x71: {  	_ =	shalt  }
0x72: {  	_ =	shalt  }
0x73: {  	_ =	shalt  }
0x74: {  	_ =	shalt  }
0x75: {  	_ =	shalt  }
0x76: {  	_ =	shalt  }
0x77: {  	_ =	shalt  }
0x78: {  	_ =	shalt  }
0x79: {  	_ =	shalt  }
0x7a: {  	_ =	shalt  }
0x7b: {  	_ =	shalt  }
0x7c: {  	_ =	shalt  }
0x7d: {  	_ =	shalt  }
0x7e: {  	_ =	shalt  }
0x7f: {  	_ =	shalt  }
0x80: {  	_ =	shalt  }
0x81: {  	_ =	shalt  }
0x82: {  	_ =	shalt  }
0x83: {  	_ =	shalt  }
0x84: {  	_ =	shalt  }
0x85: {  	_ =	shalt  }
0x86: {  	_ =	shalt  }
0x87: {  	_ =	shalt  }
.Lfunc_end0:
.L_simem_size_0:
called_computation_lowered:
.L_overlay_start_0:
0x88: {  	s2 =	sld [smem:$0x3FD9]  }
0x89: {  	s3 =	sld [smem:$0x3FFE];
	_ =	sdelay $0x1  }
0x8a: {  	s1 =	srdreg.scid  }
0x8b: {  	s0 =	sand.u32 $0x1, s1  }
0x8c: {  	s17 =	sshll.u32 s0, $0xA;
	s2 =	sadd.s32 s3, s2  }
0x8d: {  	s2 =	sadd.s32 s2, s17  }
0x8e: {  	[smem:$0x3FC6] =	sst s2  }
0x8f: {  	_ = 	snop  }
0x90: {  	s2 =	sld [smem:$0x3FD0];
	(tm) =	ssettm $0x1  }
0x91: {  	s18 =	sld [smem:$0x3FFB];
	_ =	sdelay $0x3  }
0x92: {  	_ =	strace s18  }
0x93: {  	s3 =	sld [smem:$0x3FFC];
	_ =	sdelay $0x3  }
0x94: {  	_ =	strace s3  }
0x95: {  	s3 =	sld [smem:$0x3FFD];
	_ =	sdelay $0x3  }
0x96: {  	_ =	strace s3  }
0x97: {  	_ =	strace $0x8FFFFFFF  }
0x98: {  	s19 =	sld [smem:$0x3FDB];
	_ =	sdelay $0x1  }
0x99: {  	s4 =	simm.s32 $_scs_section_size  }
0x9a: {  	s5 =	simm.s32 $_size__tile_overlayer_lowered;
	s6 =	simm.s32 $_tile_overlayer_lowered  }
0x9b: {  	s22 =	simm.s32 $0x1BFF;
	s21 =	sshll.u32 s6, $0x1;
	s3 =	sadd.s32 s4, s19  }
0x9c: {  	s7 =	simm.s32 $0x0;
	s20 =	sshll.u32 s5, $0x1;
	s5 =	sadd.s32 s21, s3  }
0x9d: {  	[timem:s7], [sflag:s22] =	dma.local [hbm:s5], s20  }
0x9e: {  	_ =	swait.ge [sflag:s22], s20  }
0x9f: {  	s4 =	ssub.s32 $0x0, s20;
	[sflag:s22] =	ssyncset.done $0x0  }
0xa0: {  	[sflag:s22] =	ssyncadd.s32 s4;
	_ =	sdelay $0x1  }
0xa1: {  	s23 =	simm.s32 $0x1B8B  }
0xa2: {  	_ =	swait.ge [sflag:s23], $0x1  }
0xa3: {  	[sflag:s23] =	ssyncset.done $0x0  }
0xa4: {  	s25 =	simm.s32 $0x1B8E;
	s24 =	sld [smem:$0x3FFE];
	[sflag:s23] =	ssyncadd.s32 $0xFFFFFFFF  }
0xa5: {  	s26 =	simm.s32 $execute0_lowered;
	[smem:$0x3FD2] =	sst s25  }
0xa6: {  	s5 =	sshll.u32 s26, $0x1;
	_ =	strace $0x80000046;
	[dreg:$0x1] =	wrdreg $0xFFFFFFFF  }
0xa7: {  	s28 =	simm.s32 $_size_execute0_lowered;
	s3 =	sadd.s32 s3, s5;
	[dreg:$0x0] =	wrdreg $0x0  }
0xa8: {  	s5 =	sshll.u32 s28, $0x1;
	[dreg:$0x2] =	wrdreg s3  }
0xa9: {  	[dreg:$0x3] =	wrdreg s5  }
0xaa: {  	[dreg:$0x4] =	wrdreg $0xC0  }
0xab: {  	_ =	task [dreg:s7], $0x5FFFF  }
0xac: {  	[dreg:$0x1] =	wrdreg $0xFFFFFFFF  }
0xad: {  	[dreg:$0x0] =	wrdreg $0x60  }
0xae: {  	[dreg:$0x2] =	wrdreg s2  }
0xaf: {  	[dreg:$0x3] =	wrdreg s24  }
0xb0: {  	[dreg:$0x4] =	wrdreg $0x9  }
0xb1: {  	_ =	task.clear_ibuf [dreg:s7], $0x5FFFF;
	_ =	strace $0x90000046  }
0xb2: {  	s29 =	simm.s32 $0x9;
	_ =	strace $0x80000048  }
0xb3: {  	_ =	swait.ge [sflag:s29], $0x1  }
0xb4: {  	[sflag:s29] =	ssyncadd.s32 $0xFFFFFFFF  }
0xb5: {  	_ =	strace $0x90000048  }
0xb6: {  	_ =	sfence  }
0xb7: {  	s30 =	sld [smem:$0x0];
	_ =	sdelay $0x2  }
0xb8: {  	s31 =	sshll.u32 s1, $0xD;
	s1 =	sshrl.u32 s1, $0x2  }
0xb9: {  	s3 =	sand.u32 $0x4000, s31;
	s1 =	sadd.s32 s1, s30  }
0xba: {  	s0 =	sor.u32 s3, s0;
	s1 =	sshll.u32 s1, $0x11  }
0xbb: {  	s0 =	sor.u32 s1, s0  }
0xbc: {  	s0 =	sadd.s32 $0x8F2B, s0  }
0xbd: {  	[sflag:s0] =	ssyncadd.remote.s32 $0x1  }
0xbe: {  	_ =	sfence.sel $0xFFFF  }
0xbf: {  	[dreg:$0x0] =	wrdreg $0xFFFFFFFF;
	(pc) =	sbr.abs _section_cstart, $3  }
0xc0: {  	[dreg:$0x1] =	wrdreg $0xFFFFFFFF  }
0xc1: {  	_ =	task.clear_ibuf [dreg:s7], $0x2FFFF;
	_ =	strace $0x9FFFFFFF  }
0xc2: {  	(tm) =	ssettm $0x7FFFFFFF  }
0xc3: {  	_ =	shalt  }
tec
execute0_lowered:
.L_overlay_start_1:
0x0: {  	(tag) =	ssettag $0x1  }
0x1: {  	s3 =	rddreg [dreg:$0x0]  }
0x2: {  	s4 =	rddreg [dreg:$0x1]  }
0x3: {  	s0 =	rddreg [dreg:$0x2];
	s2 =	simm.s32 $0x0;
	s5 =	srdreg.scid  }
0x4: {  	s1 =	stileid.u32;
	s15 =	simm.s32 $0x400;
	s16 =	simm.s32 $0x1  }
0x5: {  	s17 =	simm.s32 $0x1400;
	s18 =	simm.s32 $0x2400;
	s19 =	simm.s32 $0x3400  }
0x6: {  	s20 =	simm.s32 $0x3800;
	s21 =	simm.s32 $0x3C00;
	s22 =	simm.s32 $0x4000  }
0x7: {  	s23 =	simm.s32 $0x4400;
	s24 =	simm.s32 $0x4800;
	s25 =	simm.s32 $0x4C00  }
0x8: {  	s26 =	simm.s32 $0x0;
	[smem:$0x7FF] =	sst s2;
	s5 =	sand.u32 $0x1, s5  }
0x9: {  	s6 =	sshll.u32 s1, $0x8;
	_ =	strace $0x80000047;
	s7 =	sshll.u32 s5, $0x7  }
0xa: {  	s8 =	sand.u32 $0xE00, s6;
	s5 =	ssub.s32 $0x2, s5;
	s6 =	sor.u32 s7, s6  }
0xb: {  	s31 =	sadd.s32 s8, s4;
	s10 =	sshrl.u32 s5, $0x1;
	s3 =	sadd.s32 s3, s8  }
0xc: {  	s9 =	sand.u32 $0x180, s6;
	s13 =	sadd.s32 s6, s4;
	s14 =	ssub.s32 s5, s10  }
0xd: {  	s5 =	sadd.s32 $0x1E00, s31;
	s9 =	sadd.s32 s9, s4;
	s4 =	sadd.s32 $0xE00, s31  }
0xe: {  	s10 =	sadd.s32 $0x3E00, s13;
	s11 =	sadd.s32 $0x4E00, s13;
	s12 =	sadd.s32 $0x5E00, s13  }
0xf: {  	s14 =	smax.u32 s14, $0x1;
	s6 =	sadd.s32 $0xC00, s9;
	s7 =	sadd.s32 $0xA00, s9  }
0x10: {  	s8 =	sadd.s32 $0x800, s9;
	s9 =	sadd.s32 $0x2E00, s13;
	s13 =	sadd.s32 $0x6E00, s13  }
.LBB2_1:
0x11: {  	[tilespmem:s15], [sflag:$0x1] =	stream.linear.gather [hbm4b:s3+s2], $0x1000, $0x38;
	[tilespmem:$0x5000] =	vst v63  }
0x12: {  	_ =	swait.ge [sflag:s16], $0x1000  }
0x13: {  	[sflag:s16] =	ssyncset.done $0x0  }
0x14: {  	[sflag:s16] =	ssyncadd.s32 $0xFFFFF000  }
0x15: {  	[tilespmem:s17], [sflag:$0x1] =	stream.linear.gather [hbm4b:s4+s2], $0x1000, $0x38;
	[tilespmem:$0x5000] =	vst v63  }
0x16: {  	_ =	swait.ge [sflag:s16], $0x1000  }
0x17: {  	[sflag:s16] =	ssyncset.done $0x0  }
0x18: {  	[sflag:s16] =	ssyncadd.s32 $0xFFFFF000  }
0x19: {  	[tilespmem:s18], [sflag:$0x1] =	stream.linear.gather [hbm4b:s5+s2], $0x1000, $0x38;
	[tilespmem:$0x5000] =	vst v63  }
0x1a: {  	_ =	swait.ge [sflag:s16], $0x1000  }
0x1b: {  	[sflag:s16] =	ssyncset.done $0x0  }
0x1c: {  	[sflag:s16] =	ssyncadd.s32 $0xFFFFF000  }
0x1d: {  	[tilespmem:s19], [sflag:$0x1] =	stream.linear.gather [hbm4b:s6+s2], $0x400, $0x38;
	[tilespmem:$0x5000] =	vst v63  }
0x1e: {  	_ =	swait.ge [sflag:s16], $0x400  }
0x1f: {  	[sflag:s16] =	ssyncset.done $0x0  }
0x20: {  	[sflag:s16] =	ssyncadd.s32 $0xFFFFFC00  }
0x21: {  	[tilespmem:s20], [sflag:$0x1] =	stream.linear.gather [hbm4b:s7+s2], $0x400, $0x38;
	[tilespmem:$0x5000] =	vst v63  }
0x22: {  	_ =	swait.ge [sflag:s16], $0x400  }
0x23: {  	[sflag:s16] =	ssyncset.done $0x0  }
0x24: {  	[sflag:s16] =	ssyncadd.s32 $0xFFFFFC00  }
0x25: {  	[tilespmem:s21], [sflag:$0x1] =	stream.linear.gather [hbm4b:s8+s2], $0x400, $0x38;
	[tilespmem:$0x5000] =	vst v63  }
0x26: {  	_ =	swait.ge [sflag:s16], $0x400  }
0x27: {  	[sflag:s16] =	ssyncset.done $0x0  }
0x28: {  	[sflag:s16] =	ssyncadd.s32 $0xFFFFFC00  }
0x29: {  	[tilespmem:s2], [sflag:$0x1] =	stream.linear.gather [hbm4b:s9+s2], $0x400, $0x38;
	[tilespmem:$0x5000] =	vst v63  }
0x2a: {  	_ =	swait.ge [sflag:s16], $0x400  }
0x2b: {  	[sflag:s16] =	ssyncset.done $0x0  }
0x2c: {  	s28 =	simm.s32 $0x0;
	[sflag:s16] =	ssyncadd.s32 $0xFFFFFC00  }
0x2d: {  	v0 =	vld [tilespmem:s28+$0x0];
	_ =	sdelay $0x5  }
0x2e: {  	v1 =	vld [tilespmem:s28+$0x3400]  }
0x2f: {  	v4 =	vld [tilespmem:s28+$0x3800]  }
0x30: {  	v2 =	vld.idx.msk [tilespmem:v0+s15+$0x0], $0xffff  }
0x31: {  	v3 =	vld.idx.msk [tilespmem:v0+s17+$0x0], $0xffff  }
0x32: {  	v5 =	vld [tilespmem:s28+$0x3C00]  }
0x33: {  	v0 =	vld.idx.msk [tilespmem:v0+s18+$0x0], $0xffff;
	_ =	sdelay $0x2  }
0x34: {  	v1 =	vsub.f32 v2, v1;
	v3 =	vsub.f32 v3, v4;
	_ =	sdelay $0x1  }
0x35: {  	v4 =	vsub.f32 v0, v5;
	v0 =	vmul.f32 v1, v1;
	v2 =	vmul.f32 v3, v3;
	_ =	sdelay $0x1  }
0x36: {  	v0 =	vadd.f32 v2, v0;
	v2 =	vmul.f32 v4, v4;
	_ =	sdelay $0x1  }
0x37: {  	v0 =	vadd.f32 v2, v0;
	_ =	sdelay $0x1  }
0x38: {  	v0 =	vadd.f32 $9.999999960e-13, v0;
	_ =	sdelay $0x1  }
0x39: {  	v2 =	vshra.s32 v0, $0x1;
	v5 =	vmul.f32 $5.000000000e-01, v0  }
0x3a: {  	v2 =	vsub.s32 $0x5F3759DF, v2  }
0x3b: {  	v6 =	vmul.f32 v2, v5;
	_ =	sdelay $0x1  }
0x3c: {  	v6 =	vmul.f32 v2, v6;
	_ =	sdelay $0x1  }
0x3d: {  	v6 =	vsub.f32 $1.500000000e+00, v6;
	_ =	sdelay $0x1  }
0x3e: {  	v2 =	vmul.f32 v2, v6;
	_ =	sdelay $0x1  }
0x3f: {  	v6 =	vmul.f32 v2, v5;
	_ =	sdelay $0x1  }
0x40: {  	v6 =	vmul.f32 v6, v2;
	_ =	sdelay $0x1  }
0x41: {  	v6 =	vsub.f32 $1.500000000e+00, v6;
	_ =	sdelay $0x1  }
0x42: {  	v2 =	vmul.f32 v6, v2;
	_ =	sdelay $0x1  }
0x43: {  	[tilespmem:s28+$0x4400] =	vst v1;
	v1 =	vmul.f32 v2, v5  }
0x44: {  	[tilespmem:s28+$0x4800] =	vst v3  }
0x45: {  	s30 =	simm.s32 $0x10;
	[tilespmem:s28+$0x4C00] =	vst v4;
	v3 =	vmul.f32 v1, v2  }
0x46: {  	s29 =	simm.s32 $0x80;
	v1 =	vld [tilespmem:s30+$0x0]  }
.LBB2_2:
0x47: {  	p0 =	sne.s32 s29, $0xFC0;
	v3 =	vsub.f32 $1.500000000e+00, v3;
	_ =	sdelay $0x1  }
0x48: {  	v2 =	vmul.f32 v3, v2;
	_ =	sdelay $0x1  }
0x49: {  	v0 =	vmul.f32 v2, v0;
	_ =	sdelay $0x1  }
0x4a: {  	v2 =	vld [tilespmem:s30+$0x3400];
	[tilespmem:s28+$0x4000] =	vst v0;
	s28 =	smov.u32 s30  }
0x4b: {  	v0 =	vld.idx.msk [tilespmem:v1+s15+$0x0], $0xffff  }
0x4c: {  	v3 =	vld.idx.msk [tilespmem:v1+s17+$0x0], $0xffff  }
0x4d: {  	v4 =	vld [tilespmem:s28+$0x3800]  }
0x4e: {  	v1 =	vld.idx.msk [tilespmem:v1+s18+$0x0], $0xffff  }
0x4f: {  	v5 =	vld [tilespmem:s28+$0x3C00];
	_ =	sdelay $0x2  }
0x50: {  	v0 =	vsub.f32 v0, v2;
	v2 =	vsub.f32 v3, v4;
	_ =	sdelay $0x1  }
0x51: {  	v3 =	vmul.f32 v0, v0;
	v1 =	vsub.f32 v1, v5;
	v4 =	vmul.f32 v2, v2;
	[tilespmem:s28+$0x4800] =	vst v2  }
0x52: {  	[tilespmem:s28+$0x4400] =	vst v0  }
0x53: {  	v0 =	vadd.f32 v4, v3;
	v2 =	vmul.f32 v1, v1;
	[tilespmem:s28+$0x4C00] =	vst v1;
	_ =	sdelay $0x1  }
0x54: {  	v0 =	vadd.f32 v2, v0;
	_ =	sdelay $0x1  }
0x55: {  	v0 =	vadd.f32 $9.999999960e-13, v0;
	_ =	sdelay $0x1  }
0x56: {  	v1 =	vshra.s32 v0, $0x1;
	v3 =	vmul.f32 $5.000000000e-01, v0  }
0x57: {  	v1 =	vsub.s32 $0x5F3759DF, v1  }
0x58: {  	v2 =	vmul.f32 v1, v3;
	_ =	sdelay $0x1  }
0x59: {  	v2 =	vmul.f32 v1, v2;
	_ =	sdelay $0x1  }
0x5a: {  	v2 =	vsub.f32 $1.500000000e+00, v2;
	_ =	sdelay $0x1  }
0x5b: {  	v1 =	vmul.f32 v1, v2;
	_ =	sdelay $0x1  }
0x5c: {  	v2 =	vmul.f32 v1, v3;
	_ =	sdelay $0x1  }
0x5d: {  	v2 =	vmul.f32 v2, v1;
	_ =	sdelay $0x1  }
0x5e: {  	v2 =	vsub.f32 $1.500000000e+00, v2;
	_ =	sdelay $0x1  }
0x5f: {  	v2 =	vmul.f32 v2, v1  }
.Ltmp0:
0x60: {  	(pc) =	sbr.rel @p0 .LBB2_2-.Ltmp0, $3  }
0x61: {  	v1 =	vmul.f32 v2, v3;
	_ =	sdelay $0x1  }
0x62: {  	s30 =	sshra.s32 s29, $0x2;
	v3 =	vmul.f32 v1, v2  }
0x63: {  	s29 =	sadd.s32 $0x40, s29;
	v1 =	vld [tilespmem:s30+$0x0]  }
0x64: {  	_ = 	snop  }
0x65: {  	v3 =	vsub.f32 $1.500000000e+00, v3;
	_ =	sdelay $0x1  }
0x66: {  	v2 =	vmul.f32 v3, v2;
	_ =	sdelay $0x1  }
0x67: {  	v0 =	vmul.f32 v2, v0;
	_ =	sdelay $0x1  }
0x68: {  	v55 =	vld [tilespmem:s30+$0x3400];
	[tilespmem:s28+$0x4000] =	vst v0  }
0x69: {  	v0 =	vld.idx.msk [tilespmem:v1+s15+$0x0], $0xffff  }
0x6a: {  	v56 =	vld.idx.msk [tilespmem:v1+s17+$0x0], $0xffff  }
0x6b: {  	v4 =	vld [tilespmem:s30+$0x3800]  }
0x6c: {  	v57 =	vld.idx.msk [tilespmem:v1+s18+$0x0], $0xffff  }
0x6d: {  	v5 =	vld [tilespmem:s30+$0x3C00];
	_ =	sdelay $0x2  }
0x6e: {  	v0 =	vsub.f32 v0, v55;
	v58 =	vsub.f32 v56, v4;
	_ =	sdelay $0x1  }
0x6f: {  	v1 =	vsub.f32 v57, v5;
	v59 =	vmul.f32 v0, v0;
	v4 =	vmul.f32 v58, v58;
	_ =	sdelay $0x1  }
0x70: {  	v60 =	vmul.f32 v1, v1;
	v3 =	vadd.f32 v4, v59;
	_ =	sdelay $0x1  }
0x71: {  	v3 =	vadd.f32 v60, v3;
	_ =	sdelay $0x1  }
0x72: {  	v3 =	vadd.f32 $9.999999960e-13, v3;
	_ =	sdelay $0x1  }
0x73: {  	v61 =	vshra.s32 v3, $0x1;
	v62 =	vmul.f32 $5.000000000e-01, v3  }
0x74: {  	v4 =	vsub.s32 $0x5F3759DF, v61  }
0x75: {  	v6 =	vmul.f32 v4, v62;
	_ =	sdelay $0x1  }
0x76: {  	v6 =	vmul.f32 v4, v6;
	_ =	sdelay $0x1  }
0x77: {  	v6 =	vsub.f32 $1.500000000e+00, v6;
	_ =	sdelay $0x1  }
0x78: {  	v4 =	vmul.f32 v4, v6;
	_ =	sdelay $0x1  }
0x79: {  	v6 =	vmul.f32 v4, v62;
	_ =	sdelay $0x1  }
0x7a: {  	v6 =	vmul.f32 v6, v4;
	_ =	sdelay $0x1  }
0x7b: {  	v6 =	vsub.f32 $1.500000000e+00, v6;
	_ =	sdelay $0x1  }
0x7c: {  	v4 =	vmul.f32 v6, v4;
	_ =	sdelay $0x1  }
0x7d: {  	v5 =	vmul.f32 v4, v62;
	_ =	sdelay $0x1  }
0x7e: {  	v5 =	vmul.f32 v5, v4;
	_ =	sdelay $0x1  }
0x7f: {  	v5 =	vsub.f32 $1.500000000e+00, v5;
	_ =	sdelay $0x1  }
0x80: {  	v4 =	vmul.f32 v5, v4  }
0x81: {  	[tilespmem:s30+$0x4800] =	vst v58  }
0x82: {  	[tilespmem:s30+$0x4400] =	vst v0;
	v63 =	vmul.f32 v4, v3  }
0x83: {  	[tilespmem:s30+$0x4C00] =	vst v1  }
0x84: {  	[tilespmem:s30+$0x4000] =	vst v63  }
0x85: {  	[hbm4b:s10+s2] =	stream.linear.scatter [tilespmem:s22], [sflag:$0x1], $0x400, $0x38;
	[tilespmem:$0x5000] =	vst v63  }
0x86: {  	_ =	swait.ge [sflag:s16], $0x400  }
0x87: {  	[sflag:s16] =	ssyncset.done $0x0  }
0x88: {  	[sflag:s16] =	ssyncadd.s32 $0xFFFFFC00  }
0x89: {  	[hbm4b:s11+s2] =	stream.linear.scatter [tilespmem:s23], [sflag:$0x1], $0x400, $0x38;
	[tilespmem:$0x5000] =	vst v63  }
0x8a: {  	_ =	swait.ge [sflag:s16], $0x400  }
0x8b: {  	[sflag:s16] =	ssyncset.done $0x0  }
0x8c: {  	[sflag:s16] =	ssyncadd.s32 $0xFFFFFC00  }
0x8d: {  	[hbm4b:s12+s2] =	stream.linear.scatter [tilespmem:s24], [sflag:$0x1], $0x400, $0x38;
	[tilespmem:$0x5000] =	vst v63  }
0x8e: {  	s26 =	sadd.s32 $0x1, s26;
	_ =	swait.ge [sflag:s16], $0x400  }
0x8f: {  	p0 =	sne.s32 s26, s14;
	[sflag:s16] =	ssyncset.done $0x0  }
.Ltmp1:
0x90: {  	[sflag:s16] =	ssyncadd.s32 $0xFFFFFC00;
	(pc) =	sbr.rel @p0 .LBB2_1-.Ltmp1, $4  }
0x91: {  	[hbm4b:s13+s2] =	stream.linear.scatter [tilespmem:s25], [sflag:$0x1], $0x400, $0x38;
	[tilespmem:$0x5000] =	vst v63  }
0x92: {  	_ =	swait.ge [sflag:s16], $0x400  }
0x93: {  	[sflag:s16] =	ssyncset.done $0x0  }
0x94: {  	[sflag:s16] =	ssyncadd.s32 $0xFFFFFC00  }
0x95: {  	_ =	sfence.sel $0x180000  }
0x96: {  	[bflag:$0x0] =	sbarrier.arrive $0xFFFF  }
0x97: {  	p0 =	sne.s32 s1, $0x0;
	_ =	strace $0x90000047  }
0x98: {  	s0 =	sadd.s32 @!p0 $0x100000, s0;
	[bflag:$0x2] =	sbarrier.arrive $0xFFFF  }
0x99: {  	[sflag:s0] =	ssyncadd.tile.s32 @!p0 $0x1;
	_ =	shalt  }
.Lfunc_end2:
_tile_overlayer_lowered:
.L_overlay_start_2:
0x9a: {  	(tag) =	ssettag $0x2  }
0x9b: {  	s0 =	rddreg [dreg:$0x0];
	s2 =	stileid.u32  }
0x9c: {  	s1 =	rddreg [dreg:$0x1];
	p0 =	sne.s32 s2, $0x0  }
0x9d: {  	s3 =	rddreg [dreg:$0x2];
	[bflag:$0x3] =	sbarrier.arrive $0xFFFF;
	s2 =	simm.s32 @!p0 $0x1C01  }
0x9e: {  	[timem:s3], [sflag:s2] =	dma.local @!p0 [hbm:s0], s1  }
0x9f: {  	s0 =	simm.s32 @!p0 $0x1  }
0xa0: {  	_ =	swait.ge @!p0 [sflag:s0], s1  }
0xa1: {  	s1 =	ssub.s32 @!p0 $0x0, s1;
	[sflag:s0] =	ssyncset.done @!p0 $0x0  }
0xa2: {  	[sflag:s0] =	ssyncadd.s32 @!p0 s1  }
0xa3: {  	[bflag:$0x3] =	sbarrier.arrive $0xFFFF  }
0xa4: {  	_ =	shalt  }

</sc_bundles>
